<compile_context>
chip_gen: v7x
topology: tpu7x:2x2x1
jax: 0.10.2.dev20260603
libtpu: 0.0.44.dev20260713+nightly
codegen_flags: <defaults>
</compile_context>

<pallas_src>
import functools

import jax
import jax.numpy as jnp
from jax import lax
from jax.experimental import pallas as pl
from jax.experimental.pallas import tpu as pltpu
from jax.experimental.pallas import tpu_sc as plsc

VOCAB = 1000000
EMBED = 32
BATCH = 4096
SEQ = 200

ROW = 128
NROWS = BATCH * SEQ // ROW
NW = 32
ROWS_PER_W = NROWS // NW
K = 2
NGROUPS = ROWS_PER_W // K
TW = 128


def _make_kernel():
  mesh = plsc.VectorSubcoreMesh(core_axis_name="c", subcore_axis_name="s")

  @functools.partial(
      pl.kernel,
      mesh=mesh,
      compiler_params=pltpu.CompilerParams(use_tc_tiling_on_sc=False),
      out_type=jax.ShapeDtypeStruct((NROWS, ROW, EMBED), jnp.float32),
      scratch_types=[
          pltpu.VMEM((ROWS_PER_W, ROW), jnp.int32),
          pltpu.VMEM((K, ROW, TW), jnp.float32),
          pltpu.VMEM((K, ROW, TW), jnp.float32),
          pltpu.SemaphoreType.DMA,
          pltpu.SemaphoreType.DMA,
          pltpu.SemaphoreType.DMA,
          pltpu.SemaphoreType.DMA,
      ],
  )
  def body(idx_hbm, table_hbm, out_hbm, idx_all, rows0, rows1,
           gsem0, gsem1, wsem0, wsem1):
    wid = lax.axis_index("s") * 2 + lax.axis_index("c")
    base = wid * ROWS_PER_W

    pltpu.sync_copy(idx_hbm.at[pl.ds(base, ROWS_PER_W)], idx_all)

    def fire(g, rows, gsem):
      for j in range(K):
        pltpu.async_copy(table_hbm.at[idx_all.at[g * K + j]], rows.at[j], gsem)

    def drain(g, rows, gsem):
      for j in range(K):
        pltpu.make_async_copy(table_hbm.at[pl.ds(0, ROW)], rows.at[j],
                              gsem).wait()

    def wb(g, rows, wsem):
      pltpu.async_copy(rows.at[:, :, pl.ds(0, EMBED)],
                       out_hbm.at[pl.ds(base + g * K, K)], wsem)

    def wait_wb(g, rows, wsem):
      pltpu.make_async_copy(rows.at[:, :, pl.ds(0, EMBED)],
                            out_hbm.at[pl.ds(base + g * K, K)], wsem).wait()

    fire(0, rows0, gsem0)
    fire(1, rows1, gsem1)
    drain(0, rows0, gsem0)
    wb(0, rows0, wsem0)

    def step(m, carry):
      g0 = 2 * m
      g1 = 2 * m + 1
      drain(g1 - 2, rows1, gsem1)
      wb(g1 - 2, rows1, wsem1)
      wait_wb(g0 - 2, rows0, wsem0)
      fire(g0, rows0, gsem0)
      drain(g0, rows0, gsem0)
      wb(g0, rows0, wsem0)
      wait_wb(g1 - 2, rows1, wsem1)
      fire(g1, rows1, gsem1)
      return carry

    lax.fori_loop(1, NGROUPS // 2, step, 0)

    drain(NGROUPS - 1, rows1, gsem1)
    wb(NGROUPS - 1, rows1, wsem1)
    wait_wb(NGROUPS - 2, rows0, wsem0)
    wait_wb(NGROUPS - 1, rows1, wsem1)

  return body


_sc_gather = _make_kernel()


def kernel(words_seq, table):
  idx = words_seq.reshape(NROWS, ROW).astype(jnp.int32)
  tab = jnp.pad(table, ((0, 0), (0, TW - EMBED)))
  out = _sc_gather(idx, tab)
  return out.reshape(BATCH, SEQ, EMBED)

# --- scband reference (transcript-rebuilt; emitter-appended) ---
"""Pipeline reference for scband-char-embeddings-59098749993535 (READ-ONLY COPY).

The authoritative reference and input builder live on the scoring server;
editing this copy changes nothing except your own understanding.
"""

import jax, jax.numpy as jnp
import numpy as np

VOCAB = 1000000
EMBED_DIM = 32
BATCH = 4096
SEQ = 200


def setup_inputs(seed: int = 0) -> dict:
    key = jax.random.key(seed)
    k_idx, k_tab = jax.random.split(key)
    words_seq = jax.random.randint(k_idx, (BATCH, SEQ), 0, VOCAB, dtype=jnp.int64 if jax.config.read('jax_enable_x64') else jnp.int32)
    table = jax.random.normal(k_tab, (VOCAB, EMBED_DIM), dtype=jnp.float32)
    # padding_idx=0 -> row 0 is zeros
    table = table.at[0].set(0.0)
    return {"words_seq": words_seq, "table": table}


def reference(words_seq, table):
    # nn.Embedding(vocab_size, embed_dim, padding_idx=0) lookup
    char_embeds = jnp.take(table, words_seq, axis=0)
    # nn.Dropout is identity at inference (deterministic reference)
    return char_embeds

if __name__ == "__main__":
    import jax
    _d = setup_inputs()
    print(jax.jit(kernel)(*tuple(_d.values())))

</pallas_src>

<mosaic_0001>
#map = affine_map<(d0, d1) -> (0, 0)>
#map1 = affine_map<(d0, d1) -> (0, 0, 0)>
module attributes {stable_mosaic.version = 14 : i64} {
  func.func @body(%arg0: i32, %arg1: i32, %arg2: memref<6400x128xi32, #tpu.memory_space<hbm>>, %arg3: memref<1000000x128xf32, #tpu.memory_space<hbm>>, %arg4: memref<6400x128x32xf32, #tpu.memory_space<hbm>>, %arg5: memref<200x128xi32, #tpu.memory_space<vmem>>, %arg6: memref<2x128x128xf32, #tpu.memory_space<vmem>>, %arg7: memref<2x128x128xf32, #tpu.memory_space<vmem>>, %arg8: memref<!tpu.dma_semaphore, #tpu.memory_space<semaphore_mem>>, %arg9: memref<!tpu.dma_semaphore, #tpu.memory_space<semaphore_mem>>, %arg10: memref<!tpu.dma_semaphore, #tpu.memory_space<semaphore_mem>>, %arg11: memref<!tpu.dma_semaphore, #tpu.memory_space<semaphore_mem>>) attributes {dimension_semantics = [#tpu.dimension_semantics<core_parallel>, #tpu.dimension_semantics<subcore_parallel>], iteration_bounds = array<i64: 2, 16>, scalar_prefetch = 0 : i64, scratch_operands = 7 : i64, tpu.core_type = #tpu.core_type<sc_vector_subcore>, window_params = [{transform_indices = #map}, {transform_indices = #map}, {transform_indices = #map1}]} {
    %mul3A = arith.constant 2 : i32
    %mul3A_0 = arith.muli %arg1, %mul3A : i32
    %add3A = arith.addi %mul3A_0, %arg0 : i32
    %mul3A_1 = arith.constant 200 : i32
    %mul3A_2 = arith.muli %add3A, %mul3A_1 : i32
    "tpu.region"() ({
      %run_scoped3A = tpu.sem_alloc : memref<!tpu.dma_semaphore, #tpu.memory_space<semaphore_mem>>
      %dma_start3A_178 = arith.constant 0 : i32
      %dma_start3A_179 = tpu.memref_slice %arg2[%mul3A_2, %dma_start3A_178] : memref<6400x128xi32, #tpu.memory_space<hbm>> -> memref<200x128xi32, #tpu.memory_space<hbm>>
      %dma_start3A_180 = arith.constant 0 : i32
      %dma_start3A_181 = tpu.memref_slice %arg2[%mul3A_2, %dma_start3A_180] : memref<6400x128xi32, #tpu.memory_space<hbm>> -> memref<200x128xi32, #tpu.memory_space<hbm>>
      tpu.enqueue_dma source(%dma_start3A_181 : memref<200x128xi32, #tpu.memory_space<hbm>>) target(%arg5 : memref<200x128xi32, #tpu.memory_space<vmem>>) target_semaphore(%run_scoped3A : memref<!tpu.dma_semaphore, #tpu.memory_space<semaphore_mem>>)
      %dma_wait3A_182 = arith.constant 0 : i32
      %dma_wait3A_183 = tpu.memref_slice %arg2[%mul3A_2, %dma_wait3A_182] : memref<6400x128xi32, #tpu.memory_space<hbm>> -> memref<200x128xi32, #tpu.memory_space<hbm>>
      %dma_wait3A_184 = arith.constant 0 : i32
      %dma_wait3A_185 = tpu.memref_slice %arg2[%mul3A_2, %dma_wait3A_184] : memref<6400x128xi32, #tpu.memory_space<hbm>> -> memref<200x128xi32, #tpu.memory_space<hbm>>
      tpu.wait_dma2 semaphore(%run_scoped3A : memref<!tpu.dma_semaphore, #tpu.memory_space<semaphore_mem>>) src(%dma_wait3A_185 : memref<200x128xi32, #tpu.memory_space<hbm>>) dst(%arg5 : memref<200x128xi32, #tpu.memory_space<vmem>>)
      tpu.yield
    }) : () -> ()
    %dma_start3A = arith.constant 0 : i32
    %dma_start3A_3 = arith.constant 0 : i32
    %dma_start3A_4 = arith.constant 0 : i32
    %dma_start3A_5 = arith.constant 0 : i32
    %dma_start3A_6 = tpu.memref_slice %arg6[%dma_start3A_3, %dma_start3A_4, %dma_start3A_5] : memref<2x128x128xf32, #tpu.memory_space<vmem>> -> memref<1x128x128xf32, #tpu.memory_space<vmem>>
    %dma_start3A_7 = tpu.memref_squeeze %dma_start3A_6 : memref<1x128x128xf32, #tpu.memory_space<vmem>> -> memref<128x128xf32, #tpu.memory_space<vmem>>
    %dma_start3A_8 = arith.constant 0 : i32
    %dma_start3A_9 = tpu.memref_slice %arg5[%dma_start3A, %dma_start3A_8] : memref<200x128xi32, #tpu.memory_space<vmem>> -> memref<1x128xi32, #tpu.memory_space<vmem>>
    %dma_start3A_10 = tpu.memref_squeeze %dma_start3A_9 : memref<1x128xi32, #tpu.memory_space<vmem>> -> memref<128xi32, #tpu.memory_space<vmem>>
    %dma_start3A_11 = arith.constant 0 : i32
    %dma_start3A_12 = arith.constant 0 : i32
    %dma_start3A_13 = tpu.memref_slice %arg3[%dma_start3A_11, %dma_start3A_12] : memref<1000000x128xf32, #tpu.memory_space<hbm>> -> memref<1000000x128xf32, #tpu.memory_space<hbm>>
    tpu.enqueue_indirect_dma source(%dma_start3A_13 : memref<1000000x128xf32, #tpu.memory_space<hbm>>) target(%dma_start3A_7 : memref<128x128xf32, #tpu.memory_space<vmem>>) offsets(%dma_start3A_10 : memref<128xi32, #tpu.memory_space<vmem>>) semaphore(%arg8 : memref<!tpu.dma_semaphore, #tpu.memory_space<semaphore_mem>>)
    %dma_start3A_14 = arith.constant 1 : i32
    %dma_start3A_15 = arith.constant 1 : i32
    %dma_start3A_16 = arith.constant 0 : i32
    %dma_start3A_17 = arith.constant 0 : i32
    %dma_start3A_18 = tpu.memref_slice %arg6[%dma_start3A_15, %dma_start3A_16, %dma_start3A_17] : memref<2x128x128xf32, #tpu.memory_space<vmem>> -> memref<1x128x128xf32, #tpu.memory_space<vmem>>
    %dma_start3A_19 = tpu.memref_squeeze %dma_start3A_18 : memref<1x128x128xf32, #tpu.memory_space<vmem>> -> memref<128x128xf32, #tpu.memory_space<vmem>>
    %dma_start3A_20 = arith.constant 0 : i32
    %dma_start3A_21 = tpu.memref_slice %arg5[%dma_start3A_14, %dma_start3A_20] : memref<200x128xi32, #tpu.memory_space<vmem>> -> memref<1x128xi32, #tpu.memory_space<vmem>>
    %dma_start3A_22 = tpu.memref_squeeze %dma_start3A_21 : memref<1x128xi32, #tpu.memory_space<vmem>> -> memref<128xi32, #tpu.memory_space<vmem>>
    %dma_start3A_23 = arith.constant 0 : i32
    %dma_start3A_24 = arith.constant 0 : i32
    %dma_start3A_25 = tpu.memref_slice %arg3[%dma_start3A_23, %dma_start3A_24] : memref<1000000x128xf32, #tpu.memory_space<hbm>> -> memref<1000000x128xf32, #tpu.memory_space<hbm>>
    tpu.enqueue_indirect_dma source(%dma_start3A_25 : memref<1000000x128xf32, #tpu.memory_space<hbm>>) target(%dma_start3A_19 : memref<128x128xf32, #tpu.memory_space<vmem>>) offsets(%dma_start3A_22 : memref<128xi32, #tpu.memory_space<vmem>>) semaphore(%arg8 : memref<!tpu.dma_semaphore, #tpu.memory_space<semaphore_mem>>)
    %dma_start3A_26 = arith.constant 2 : i32
    %dma_start3A_27 = arith.constant 0 : i32
    %dma_start3A_28 = arith.constant 0 : i32
    %dma_start3A_29 = arith.constant 0 : i32
    %dma_start3A_30 = tpu.memref_slice %arg7[%dma_start3A_27, %dma_start3A_28, %dma_start3A_29] : memref<2x128x128xf32, #tpu.memory_space<vmem>> -> memref<1x128x128xf32, #tpu.memory_space<vmem>>
    %dma_start3A_31 = tpu.memref_squeeze %dma_start3A_30 : memref<1x128x128xf32, #tpu.memory_space<vmem>> -> memref<128x128xf32, #tpu.memory_space<vmem>>
    %dma_start3A_32 = arith.constant 0 : i32
    %dma_start3A_33 = tpu.memref_slice %arg5[%dma_start3A_26, %dma_start3A_32] : memref<200x128xi32, #tpu.memory_space<vmem>> -> memref<1x128xi32, #tpu.memory_space<vmem>>
    %dma_start3A_34 = tpu.memref_squeeze %dma_start3A_33 : memref<1x128xi32, #tpu.memory_space<vmem>> -> memref<128xi32, #tpu.memory_space<vmem>>
    %dma_start3A_35 = arith.constant 0 : i32
    %dma_start3A_36 = arith.constant 0 : i32
    %dma_start3A_37 = tpu.memref_slice %arg3[%dma_start3A_35, %dma_start3A_36] : memref<1000000x128xf32, #tpu.memory_space<hbm>> -> memref<1000000x128xf32, #tpu.memory_space<hbm>>
    tpu.enqueue_indirect_dma source(%dma_start3A_37 : memref<1000000x128xf32, #tpu.memory_space<hbm>>) target(%dma_start3A_31 : memref<128x128xf32, #tpu.memory_space<vmem>>) offsets(%dma_start3A_34 : memref<128xi32, #tpu.memory_space<vmem>>) semaphore(%arg9 : memref<!tpu.dma_semaphore, #tpu.memory_space<semaphore_mem>>)
    %dma_start3A_38 = arith.constant 3 : i32
    %dma_start3A_39 = arith.constant 1 : i32
    %dma_start3A_40 = arith.constant 0 : i32
    %dma_start3A_41 = arith.constant 0 : i32
    %dma_start3A_42 = tpu.memref_slice %arg7[%dma_start3A_39, %dma_start3A_40, %dma_start3A_41] : memref<2x128x128xf32, #tpu.memory_space<vmem>> -> memref<1x128x128xf32, #tpu.memory_space<vmem>>
    %dma_start3A_43 = tpu.memref_squeeze %dma_start3A_42 : memref<1x128x128xf32, #tpu.memory_space<vmem>> -> memref<128x128xf32, #tpu.memory_space<vmem>>
    %dma_start3A_44 = arith.constant 0 : i32
    %dma_start3A_45 = tpu.memref_slice %arg5[%dma_start3A_38, %dma_start3A_44] : memref<200x128xi32, #tpu.memory_space<vmem>> -> memref<1x128xi32, #tpu.memory_space<vmem>>
    %dma_start3A_46 = tpu.memref_squeeze %dma_start3A_45 : memref<1x128xi32, #tpu.memory_space<vmem>> -> memref<128xi32, #tpu.memory_space<vmem>>
    %dma_start3A_47 = arith.constant 0 : i32
    %dma_start3A_48 = arith.constant 0 : i32
    %dma_start3A_49 = tpu.memref_slice %arg3[%dma_start3A_47, %dma_start3A_48] : memref<1000000x128xf32, #tpu.memory_space<hbm>> -> memref<1000000x128xf32, #tpu.memory_space<hbm>>
    tpu.enqueue_indirect_dma source(%dma_start3A_49 : memref<1000000x128xf32, #tpu.memory_space<hbm>>) target(%dma_start3A_43 : memref<128x128xf32, #tpu.memory_space<vmem>>) offsets(%dma_start3A_46 : memref<128xi32, #tpu.memory_space<vmem>>) semaphore(%arg9 : memref<!tpu.dma_semaphore, #tpu.memory_space<semaphore_mem>>)
    %dma_wait3A = arith.constant 0 : i32
    %dma_wait3A_50 = arith.constant 0 : i32
    %dma_wait3A_51 = arith.constant 0 : i32
    %dma_wait3A_52 = tpu.memref_slice %arg6[%dma_wait3A, %dma_wait3A_50, %dma_wait3A_51] : memref<2x128x128xf32, #tpu.memory_space<vmem>> -> memref<1x128x128xf32, #tpu.memory_space<vmem>>
    %dma_wait3A_53 = tpu.memref_squeeze %dma_wait3A_52 : memref<1x128x128xf32, #tpu.memory_space<vmem>> -> memref<128x128xf32, #tpu.memory_space<vmem>>
    %dma_wait3A_54 = arith.constant 0 : i32
    %dma_wait3A_55 = arith.constant 0 : i32
    %dma_wait3A_56 = tpu.memref_slice %arg3[%dma_wait3A_54, %dma_wait3A_55] : memref<1000000x128xf32, #tpu.memory_space<hbm>> -> memref<128x128xf32, #tpu.memory_space<hbm>>
    %dma_wait3A_57 = arith.constant 0 : i32
    %dma_wait3A_58 = arith.constant 0 : i32
    %dma_wait3A_59 = tpu.memref_slice %arg6[%dma_wait3A, %dma_wait3A_57, %dma_wait3A_58] : memref<2x128x128xf32, #tpu.memory_space<vmem>> -> memref<1x128x128xf32, #tpu.memory_space<vmem>>
    %dma_wait3A_60 = tpu.memref_squeeze %dma_wait3A_59 : memref<1x128x128xf32, #tpu.memory_space<vmem>> -> memref<128x128xf32, #tpu.memory_space<vmem>>
    %dma_wait3A_61 = arith.constant 0 : i32
    %dma_wait3A_62 = arith.constant 0 : i32
    %dma_wait3A_63 = tpu.memref_slice %arg3[%dma_wait3A_61, %dma_wait3A_62] : memref<1000000x128xf32, #tpu.memory_space<hbm>> -> memref<128x128xf32, #tpu.memory_space<hbm>>
    tpu.wait_dma2 semaphore(%arg8 : memref<!tpu.dma_semaphore, #tpu.memory_space<semaphore_mem>>) src(%dma_wait3A_63 : memref<128x128xf32, #tpu.memory_space<hbm>>) dst(%dma_wait3A_60 : memref<128x128xf32, #tpu.memory_space<vmem>>)
    %dma_wait3A_64 = arith.constant 1 : i32
    %dma_wait3A_65 = arith.constant 0 : i32
    %dma_wait3A_66 = arith.constant 0 : i32
    %dma_wait3A_67 = tpu.memref_slice %arg6[%dma_wait3A_64, %dma_wait3A_65, %dma_wait3A_66] : memref<2x128x128xf32, #tpu.memory_space<vmem>> -> memref<1x128x128xf32, #tpu.memory_space<vmem>>
    %dma_wait3A_68 = tpu.memref_squeeze %dma_wait3A_67 : memref<1x128x128xf32, #tpu.memory_space<vmem>> -> memref<128x128xf32, #tpu.memory_space<vmem>>
    %dma_wait3A_69 = arith.constant 0 : i32
    %dma_wait3A_70 = arith.constant 0 : i32
    %dma_wait3A_71 = tpu.memref_slice %arg3[%dma_wait3A_69, %dma_wait3A_70] : memref<1000000x128xf32, #tpu.memory_space<hbm>> -> memref<128x128xf32, #tpu.memory_space<hbm>>
    %dma_wait3A_72 = arith.constant 0 : i32
    %dma_wait3A_73 = arith.constant 0 : i32
    %dma_wait3A_74 = tpu.memref_slice %arg6[%dma_wait3A_64, %dma_wait3A_72, %dma_wait3A_73] : memref<2x128x128xf32, #tpu.memory_space<vmem>> -> memref<1x128x128xf32, #tpu.memory_space<vmem>>
    %dma_wait3A_75 = tpu.memref_squeeze %dma_wait3A_74 : memref<1x128x128xf32, #tpu.memory_space<vmem>> -> memref<128x128xf32, #tpu.memory_space<vmem>>
    %dma_wait3A_76 = arith.constant 0 : i32
    %dma_wait3A_77 = arith.constant 0 : i32
    %dma_wait3A_78 = tpu.memref_slice %arg3[%dma_wait3A_76, %dma_wait3A_77] : memref<1000000x128xf32, #tpu.memory_space<hbm>> -> memref<128x128xf32, #tpu.memory_space<hbm>>
    tpu.wait_dma2 semaphore(%arg8 : memref<!tpu.dma_semaphore, #tpu.memory_space<semaphore_mem>>) src(%dma_wait3A_78 : memref<128x128xf32, #tpu.memory_space<hbm>>) dst(%dma_wait3A_75 : memref<128x128xf32, #tpu.memory_space<vmem>>)
    %add3A_79 = arith.constant 0 : i32
    %add3A_80 = arith.addi %mul3A_2, %add3A_79 : i32
    %dma_start3A_81 = arith.constant 0 : i32
    %dma_start3A_82 = arith.constant 0 : i32
    %dma_start3A_83 = arith.constant 0 : i32
    %dma_start3A_84 = tpu.memref_slice %arg6[%dma_start3A_81, %dma_start3A_82, %dma_start3A_83] : memref<2x128x128xf32, #tpu.memory_space<vmem>> -> memref<2x128x32xf32, #tpu.memory_space<vmem>>
    %dma_start3A_85 = arith.constant 0 : i32
    %dma_start3A_86 = arith.constant 0 : i32
    %dma_start3A_87 = tpu.memref_slice %arg4[%add3A_80, %dma_start3A_85, %dma_start3A_86] : memref<6400x128x32xf32, #tpu.memory_space<hbm>> -> memref<2x128x32xf32, #tpu.memory_space<hbm>>
    %dma_start3A_88 = arith.constant 0 : i32
    %dma_start3A_89 = arith.constant 0 : i32
    %dma_start3A_90 = tpu.memref_slice %arg4[%add3A_80, %dma_start3A_88, %dma_start3A_89] : memref<6400x128x32xf32, #tpu.memory_space<hbm>> -> memref<2x128x32xf32, #tpu.memory_space<hbm>>
    %dma_start3A_91 = arith.constant 0 : i32
    %dma_start3A_92 = arith.constant 0 : i32
    %dma_start3A_93 = arith.constant 0 : i32
    %dma_start3A_94 = tpu.memref_slice %arg6[%dma_start3A_91, %dma_start3A_92, %dma_start3A_93] : memref<2x128x128xf32, #tpu.memory_space<vmem>> -> memref<2x128x32xf32, #tpu.memory_space<vmem>>
    tpu.enqueue_dma source(%dma_start3A_94 : memref<2x128x32xf32, #tpu.memory_space<vmem>>) target(%dma_start3A_90 : memref<2x128x32xf32, #tpu.memory_space<hbm>>) target_semaphore(%arg10 : memref<!tpu.dma_semaphore, #tpu.memory_space<semaphore_mem>>)
    %scan3A = arith.constant 0 : i32
    %scan3A_95 = arith.constant 1 : i32
    %scan3A_96 = arith.constant 49 : i32
    %scan3A_97 = arith.addi %scan3A_95, %scan3A_96 : i32
    %scan3A_98 = arith.constant 1 : i32
    scf.for %scan3A_178 = %scan3A_95 to %scan3A_97 step %scan3A_98  : i32 {
      %mul3A_179 = arith.constant 2 : i32
      %mul3A_180 = arith.muli %mul3A_179, %scan3A_178 : i32
      %mul3A_181 = arith.constant 2 : i32
      %mul3A_182 = arith.muli %mul3A_181, %scan3A_178 : i32
      %add3A_183 = arith.constant 1 : i32
      %add3A_184 = arith.addi %mul3A_182, %add3A_183 : i32
      %sub3A = arith.constant 2 : i32
      %sub3A_185 = arith.subi %add3A_184, %sub3A : i32
      %dma_wait3A_186 = arith.constant 0 : i32
      %dma_wait3A_187 = arith.constant 0 : i32
      %dma_wait3A_188 = arith.constant 0 : i32
      %dma_wait3A_189 = tpu.memref_slice %arg7[%dma_wait3A_186, %dma_wait3A_187, %dma_wait3A_188] : memref<2x128x128xf32, #tpu.memory_space<vmem>> -> memref<1x128x128xf32, #tpu.memory_space<vmem>>
      %dma_wait3A_190 = tpu.memref_squeeze %dma_wait3A_189 : memref<1x128x128xf32, #tpu.memory_space<vmem>> -> memref<128x128xf32, #tpu.memory_space<vmem>>
      %dma_wait3A_191 = arith.constant 0 : i32
      %dma_wait3A_192 = arith.constant 0 : i32
      %dma_wait3A_193 = tpu.memref_slice %arg3[%dma_wait3A_191, %dma_wait3A_192] : memref<1000000x128xf32, #tpu.memory_space<hbm>> -> memref<128x128xf32, #tpu.memory_space<hbm>>
      %dma_wait3A_194 = arith.constant 0 : i32
      %dma_wait3A_195 = arith.constant 0 : i32
      %dma_wait3A_196 = tpu.memref_slice %arg7[%dma_wait3A_186, %dma_wait3A_194, %dma_wait3A_195] : memref<2x128x128xf32, #tpu.memory_space<vmem>> -> memref<1x128x128xf32, #tpu.memory_space<vmem>>
      %dma_wait3A_197 = tpu.memref_squeeze %dma_wait3A_196 : memref<1x128x128xf32, #tpu.memory_space<vmem>> -> memref<128x128xf32, #tpu.memory_space<vmem>>
      %dma_wait3A_198 = arith.constant 0 : i32
      %dma_wait3A_199 = arith.constant 0 : i32
      %dma_wait3A_200 = tpu.memref_slice %arg3[%dma_wait3A_198, %dma_wait3A_199] : memref<1000000x128xf32, #tpu.memory_space<hbm>> -> memref<128x128xf32, #tpu.memory_space<hbm>>
      tpu.wait_dma2 semaphore(%arg9 : memref<!tpu.dma_semaphore, #tpu.memory_space<semaphore_mem>>) src(%dma_wait3A_200 : memref<128x128xf32, #tpu.memory_space<hbm>>) dst(%dma_wait3A_197 : memref<128x128xf32, #tpu.memory_space<vmem>>)
      %dma_wait3A_201 = arith.constant 1 : i32
      %dma_wait3A_202 = arith.constant 0 : i32
      %dma_wait3A_203 = arith.constant 0 : i32
      %dma_wait3A_204 = tpu.memref_slice %arg7[%dma_wait3A_201, %dma_wait3A_202, %dma_wait3A_203] : memref<2x128x128xf32, #tpu.memory_space<vmem>> -> memref<1x128x128xf32, #tpu.memory_space<vmem>>
      %dma_wait3A_205 = tpu.memref_squeeze %dma_wait3A_204 : memref<1x128x128xf32, #tpu.memory_space<vmem>> -> memref<128x128xf32, #tpu.memory_space<vmem>>
      %dma_wait3A_206 = arith.constant 0 : i32
      %dma_wait3A_207 = arith.constant 0 : i32
      %dma_wait3A_208 = tpu.memref_slice %arg3[%dma_wait3A_206, %dma_wait3A_207] : memref<1000000x128xf32, #tpu.memory_space<hbm>> -> memref<128x128xf32, #tpu.memory_space<hbm>>
      %dma_wait3A_209 = arith.constant 0 : i32
      %dma_wait3A_210 = arith.constant 0 : i32
      %dma_wait3A_211 = tpu.memref_slice %arg7[%dma_wait3A_201, %dma_wait3A_209, %dma_wait3A_210] : memref<2x128x128xf32, #tpu.memory_space<vmem>> -> memref<1x128x128xf32, #tpu.memory_space<vmem>>
      %dma_wait3A_212 = tpu.memref_squeeze %dma_wait3A_211 : memref<1x128x128xf32, #tpu.memory_space<vmem>> -> memref<128x128xf32, #tpu.memory_space<vmem>>
      %dma_wait3A_213 = arith.constant 0 : i32
      %dma_wait3A_214 = arith.constant 0 : i32
      %dma_wait3A_215 = tpu.memref_slice %arg3[%dma_wait3A_213, %dma_wait3A_214] : memref<1000000x128xf32, #tpu.memory_space<hbm>> -> memref<128x128xf32, #tpu.memory_space<hbm>>
      tpu.wait_dma2 semaphore(%arg9 : memref<!tpu.dma_semaphore, #tpu.memory_space<semaphore_mem>>) src(%dma_wait3A_215 : memref<128x128xf32, #tpu.memory_space<hbm>>) dst(%dma_wait3A_212 : memref<128x128xf32, #tpu.memory_space<vmem>>)
      %sub3A_216 = arith.constant 2 : i32
      %sub3A_217 = arith.subi %add3A_184, %sub3A_216 : i32
      %mul3A_218 = arith.constant 2 : i32
      %mul3A_219 = arith.muli %sub3A_217, %mul3A_218 : i32
      %add3A_220 = arith.addi %mul3A_2, %mul3A_219 : i32
      %dma_start3A_221 = arith.constant 0 : i32
      %dma_start3A_222 = arith.constant 0 : i32
      %dma_start3A_223 = arith.constant 0 : i32
      %dma_start3A_224 = tpu.memref_slice %arg7[%dma_start3A_221, %dma_start3A_222, %dma_start3A_223] : memref<2x128x128xf32, #tpu.memory_space<vmem>> -> memref<2x128x32xf32, #tpu.memory_space<vmem>>
      %dma_start3A_225 = arith.constant 0 : i32
      %dma_start3A_226 = arith.constant 0 : i32
      %dma_start3A_227 = tpu.memref_slice %arg4[%add3A_220, %dma_start3A_225, %dma_start3A_226] : memref<6400x128x32xf32, #tpu.memory_space<hbm>> -> memref<2x128x32xf32, #tpu.memory_space<hbm>>
      %dma_start3A_228 = arith.constant 0 : i32
      %dma_start3A_229 = arith.constant 0 : i32
      %dma_start3A_230 = tpu.memref_slice %arg4[%add3A_220, %dma_start3A_228, %dma_start3A_229] : memref<6400x128x32xf32, #tpu.memory_space<hbm>> -> memref<2x128x32xf32, #tpu.memory_space<hbm>>
      %dma_start3A_231 = arith.constant 0 : i32
      %dma_start3A_232 = arith.constant 0 : i32
      %dma_start3A_233 = arith.constant 0 : i32
      %dma_start3A_234 = tpu.memref_slice %arg7[%dma_start3A_231, %dma_start3A_232, %dma_start3A_233] : memref<2x128x128xf32, #tpu.memory_space<vmem>> -> memref<2x128x32xf32, #tpu.memory_space<vmem>>
      tpu.enqueue_dma source(%dma_start3A_234 : memref<2x128x32xf32, #tpu.memory_space<vmem>>) target(%dma_start3A_230 : memref<2x128x32xf32, #tpu.memory_space<hbm>>) target_semaphore(%arg11 : memref<!tpu.dma_semaphore, #tpu.memory_space<semaphore_mem>>)
      %sub3A_235 = arith.constant 2 : i32
      %sub3A_236 = arith.subi %mul3A_180, %sub3A_235 : i32
      %mul3A_237 = arith.constant 2 : i32
      %mul3A_238 = arith.muli %sub3A_236, %mul3A_237 : i32
      %add3A_239 = arith.addi %mul3A_2, %mul3A_238 : i32
      %dma_wait3A_240 = arith.constant 0 : i32
      %dma_wait3A_241 = arith.constant 0 : i32
      %dma_wait3A_242 = arith.constant 0 : i32
      %dma_wait3A_243 = tpu.memref_slice %arg6[%dma_wait3A_240, %dma_wait3A_241, %dma_wait3A_242] : memref<2x128x128xf32, #tpu.memory_space<vmem>> -> memref<2x128x32xf32, #tpu.memory_space<vmem>>
      %dma_wait3A_244 = arith.constant 0 : i32
      %dma_wait3A_245 = arith.constant 0 : i32
      %dma_wait3A_246 = tpu.memref_slice %arg4[%add3A_239, %dma_wait3A_244, %dma_wait3A_245] : memref<6400x128x32xf32, #tpu.memory_space<hbm>> -> memref<2x128x32xf32, #tpu.memory_space<hbm>>
      %dma_wait3A_247 = arith.constant 0 : i32
      %dma_wait3A_248 = arith.constant 0 : i32
      %dma_wait3A_249 = tpu.memref_slice %arg4[%add3A_239, %dma_wait3A_247, %dma_wait3A_248] : memref<6400x128x32xf32, #tpu.memory_space<hbm>> -> memref<2x128x32xf32, #tpu.memory_space<hbm>>
      %dma_wait3A_250 = arith.constant 0 : i32
      %dma_wait3A_251 = arith.constant 0 : i32
      %dma_wait3A_252 = arith.constant 0 : i32
      %dma_wait3A_253 = tpu.memref_slice %arg6[%dma_wait3A_250, %dma_wait3A_251, %dma_wait3A_252] : memref<2x128x128xf32, #tpu.memory_space<vmem>> -> memref<2x128x32xf32, #tpu.memory_space<vmem>>
      tpu.wait_dma2 semaphore(%arg10 : memref<!tpu.dma_semaphore, #tpu.memory_space<semaphore_mem>>) src(%dma_wait3A_253 : memref<2x128x32xf32, #tpu.memory_space<vmem>>) dst(%dma_wait3A_249 : memref<2x128x32xf32, #tpu.memory_space<hbm>>)
      %mul3A_254 = arith.constant 2 : i32
      %mul3A_255 = arith.muli %mul3A_180, %mul3A_254 : i32
      %add3A_256 = arith.constant 0 : i32
      %add3A_257 = arith.addi %mul3A_255, %add3A_256 : i32
      %dma_start3A_258 = arith.constant 0 : i32
      %dma_start3A_259 = arith.constant 0 : i32
      %dma_start3A_260 = arith.constant 0 : i32
      %dma_start3A_261 = tpu.memref_slice %arg6[%dma_start3A_258, %dma_start3A_259, %dma_start3A_260] : memref<2x128x128xf32, #tpu.memory_space<vmem>> -> memref<1x128x128xf32, #tpu.memory_space<vmem>>
      %dma_start3A_262 = tpu.memref_squeeze %dma_start3A_261 : memref<1x128x128xf32, #tpu.memory_space<vmem>> -> memref<128x128xf32, #tpu.memory_space<vmem>>
      %dma_start3A_263 = arith.constant 0 : i32
      %dma_start3A_264 = tpu.memref_slice %arg5[%add3A_257, %dma_start3A_263] : memref<200x128xi32, #tpu.memory_space<vmem>> -> memref<1x128xi32, #tpu.memory_space<vmem>>
      %dma_start3A_265 = tpu.memref_squeeze %dma_start3A_264 : memref<1x128xi32, #tpu.memory_space<vmem>> -> memref<128xi32, #tpu.memory_space<vmem>>
      %dma_start3A_266 = arith.constant 0 : i32
      %dma_start3A_267 = arith.constant 0 : i32
      %dma_start3A_268 = tpu.memref_slice %arg3[%dma_start3A_266, %dma_start3A_267] : memref<1000000x128xf32, #tpu.memory_space<hbm>> -> memref<1000000x128xf32, #tpu.memory_space<hbm>>
      tpu.enqueue_indirect_dma source(%dma_start3A_268 : memref<1000000x128xf32, #tpu.memory_space<hbm>>) target(%dma_start3A_262 : memref<128x128xf32, #tpu.memory_space<vmem>>) offsets(%dma_start3A_265 : memref<128xi32, #tpu.memory_space<vmem>>) semaphore(%arg8 : memref<!tpu.dma_semaphore, #tpu.memory_space<semaphore_mem>>)
      %mul3A_269 = arith.constant 2 : i32
      %mul3A_270 = arith.muli %mul3A_180, %mul3A_269 : i32
      %add3A_271 = arith.constant 1 : i32
      %add3A_272 = arith.addi %mul3A_270, %add3A_271 : i32
      %dma_start3A_273 = arith.constant 1 : i32
      %dma_start3A_274 = arith.constant 0 : i32
      %dma_start3A_275 = arith.constant 0 : i32
      %dma_start3A_276 = tpu.memref_slice %arg6[%dma_start3A_273, %dma_start3A_274, %dma_start3A_275] : memref<2x128x128xf32, #tpu.memory_space<vmem>> -> memref<1x128x128xf32, #tpu.memory_space<vmem>>
      %dma_start3A_277 = tpu.memref_squeeze %dma_start3A_276 : memref<1x128x128xf32, #tpu.memory_space<vmem>> -> memref<128x128xf32, #tpu.memory_space<vmem>>
      %dma_start3A_278 = arith.constant 0 : i32
      %dma_start3A_279 = tpu.memref_slice %arg5[%add3A_272, %dma_start3A_278] : memref<200x128xi32, #tpu.memory_space<vmem>> -> memref<1x128xi32, #tpu.memory_space<vmem>>
      %dma_start3A_280 = tpu.memref_squeeze %dma_start3A_279 : memref<1x128xi32, #tpu.memory_space<vmem>> -> memref<128xi32, #tpu.memory_space<vmem>>
      %dma_start3A_281 = arith.constant 0 : i32
      %dma_start3A_282 = arith.constant 0 : i32
      %dma_start3A_283 = tpu.memref_slice %arg3[%dma_start3A_281, %dma_start3A_282] : memref<1000000x128xf32, #tpu.memory_space<hbm>> -> memref<1000000x128xf32, #tpu.memory_space<hbm>>
      tpu.enqueue_indirect_dma source(%dma_start3A_283 : memref<1000000x128xf32, #tpu.memory_space<hbm>>) target(%dma_start3A_277 : memref<128x128xf32, #tpu.memory_space<vmem>>) offsets(%dma_start3A_280 : memref<128xi32, #tpu.memory_space<vmem>>) semaphore(%arg8 : memref<!tpu.dma_semaphore, #tpu.memory_space<semaphore_mem>>)
      %dma_wait3A_284 = arith.constant 0 : i32
      %dma_wait3A_285 = arith.constant 0 : i32
      %dma_wait3A_286 = arith.constant 0 : i32
      %dma_wait3A_287 = tpu.memref_slice %arg6[%dma_wait3A_284, %dma_wait3A_285, %dma_wait3A_286] : memref<2x128x128xf32, #tpu.memory_space<vmem>> -> memref<1x128x128xf32, #tpu.memory_space<vmem>>
      %dma_wait3A_288 = tpu.memref_squeeze %dma_wait3A_287 : memref<1x128x128xf32, #tpu.memory_space<vmem>> -> memref<128x128xf32, #tpu.memory_space<vmem>>
      %dma_wait3A_289 = arith.constant 0 : i32
      %dma_wait3A_290 = arith.constant 0 : i32
      %dma_wait3A_291 = tpu.memref_slice %arg3[%dma_wait3A_289, %dma_wait3A_290] : memref<1000000x128xf32, #tpu.memory_space<hbm>> -> memref<128x128xf32, #tpu.memory_space<hbm>>
      %dma_wait3A_292 = arith.constant 0 : i32
      %dma_wait3A_293 = arith.constant 0 : i32
      %dma_wait3A_294 = tpu.memref_slice %arg6[%dma_wait3A_284, %dma_wait3A_292, %dma_wait3A_293] : memref<2x128x128xf32, #tpu.memory_space<vmem>> -> memref<1x128x128xf32, #tpu.memory_space<vmem>>
      %dma_wait3A_295 = tpu.memref_squeeze %dma_wait3A_294 : memref<1x128x128xf32, #tpu.memory_space<vmem>> -> memref<128x128xf32, #tpu.memory_space<vmem>>
      %dma_wait3A_296 = arith.constant 0 : i32
      %dma_wait3A_297 = arith.constant 0 : i32
      %dma_wait3A_298 = tpu.memref_slice %arg3[%dma_wait3A_296, %dma_wait3A_297] : memref<1000000x128xf32, #tpu.memory_space<hbm>> -> memref<128x128xf32, #tpu.memory_space<hbm>>
      tpu.wait_dma2 semaphore(%arg8 : memref<!tpu.dma_semaphore, #tpu.memory_space<semaphore_mem>>) src(%dma_wait3A_298 : memref<128x128xf32, #tpu.memory_space<hbm>>) dst(%dma_wait3A_295 : memref<128x128xf32, #tpu.memory_space<vmem>>)
      %dma_wait3A_299 = arith.constant 1 : i32
      %dma_wait3A_300 = arith.constant 0 : i32
      %dma_wait3A_301 = arith.constant 0 : i32
      %dma_wait3A_302 = tpu.memref_slice %arg6[%dma_wait3A_299, %dma_wait3A_300, %dma_wait3A_301] : memref<2x128x128xf32, #tpu.memory_space<vmem>> -> memref<1x128x128xf32, #tpu.memory_space<vmem>>
      %dma_wait3A_303 = tpu.memref_squeeze %dma_wait3A_302 : memref<1x128x128xf32, #tpu.memory_space<vmem>> -> memref<128x128xf32, #tpu.memory_space<vmem>>
      %dma_wait3A_304 = arith.constant 0 : i32
      %dma_wait3A_305 = arith.constant 0 : i32
      %dma_wait3A_306 = tpu.memref_slice %arg3[%dma_wait3A_304, %dma_wait3A_305] : memref<1000000x128xf32, #tpu.memory_space<hbm>> -> memref<128x128xf32, #tpu.memory_space<hbm>>
      %dma_wait3A_307 = arith.constant 0 : i32
      %dma_wait3A_308 = arith.constant 0 : i32
      %dma_wait3A_309 = tpu.memref_slice %arg6[%dma_wait3A_299, %dma_wait3A_307, %dma_wait3A_308] : memref<2x128x128xf32, #tpu.memory_space<vmem>> -> memref<1x128x128xf32, #tpu.memory_space<vmem>>
      %dma_wait3A_310 = tpu.memref_squeeze %dma_wait3A_309 : memref<1x128x128xf32, #tpu.memory_space<vmem>> -> memref<128x128xf32, #tpu.memory_space<vmem>>
      %dma_wait3A_311 = arith.constant 0 : i32
      %dma_wait3A_312 = arith.constant 0 : i32
      %dma_wait3A_313 = tpu.memref_slice %arg3[%dma_wait3A_311, %dma_wait3A_312] : memref<1000000x128xf32, #tpu.memory_space<hbm>> -> memref<128x128xf32, #tpu.memory_space<hbm>>
      tpu.wait_dma2 semaphore(%arg8 : memref<!tpu.dma_semaphore, #tpu.memory_space<semaphore_mem>>) src(%dma_wait3A_313 : memref<128x128xf32, #tpu.memory_space<hbm>>) dst(%dma_wait3A_310 : memref<128x128xf32, #tpu.memory_space<vmem>>)
      %mul3A_314 = arith.constant 2 : i32
      %mul3A_315 = arith.muli %mul3A_180, %mul3A_314 : i32
      %add3A_316 = arith.addi %mul3A_2, %mul3A_315 : i32
      %dma_start3A_317 = arith.constant 0 : i32
      %dma_start3A_318 = arith.constant 0 : i32
      %dma_start3A_319 = arith.constant 0 : i32
      %dma_start3A_320 = tpu.memref_slice %arg6[%dma_start3A_317, %dma_start3A_318, %dma_start3A_319] : memref<2x128x128xf32, #tpu.memory_space<vmem>> -> memref<2x128x32xf32, #tpu.memory_space<vmem>>
      %dma_start3A_321 = arith.constant 0 : i32
      %dma_start3A_322 = arith.constant 0 : i32
      %dma_start3A_323 = tpu.memref_slice %arg4[%add3A_316, %dma_start3A_321, %dma_start3A_322] : memref<6400x128x32xf32, #tpu.memory_space<hbm>> -> memref<2x128x32xf32, #tpu.memory_space<hbm>>
      %dma_start3A_324 = arith.constant 0 : i32
      %dma_start3A_325 = arith.constant 0 : i32
      %dma_start3A_326 = tpu.memref_slice %arg4[%add3A_316, %dma_start3A_324, %dma_start3A_325] : memref<6400x128x32xf32, #tpu.memory_space<hbm>> -> memref<2x128x32xf32, #tpu.memory_space<hbm>>
      %dma_start3A_327 = arith.constant 0 : i32
      %dma_start3A_328 = arith.constant 0 : i32
      %dma_start3A_329 = arith.constant 0 : i32
      %dma_start3A_330 = tpu.memref_slice %arg6[%dma_start3A_327, %dma_start3A_328, %dma_start3A_329] : memref<2x128x128xf32, #tpu.memory_space<vmem>> -> memref<2x128x32xf32, #tpu.memory_space<vmem>>
      tpu.enqueue_dma source(%dma_start3A_330 : memref<2x128x32xf32, #tpu.memory_space<vmem>>) target(%dma_start3A_326 : memref<2x128x32xf32, #tpu.memory_space<hbm>>) target_semaphore(%arg10 : memref<!tpu.dma_semaphore, #tpu.memory_space<semaphore_mem>>)
      %sub3A_331 = arith.constant 2 : i32
      %sub3A_332 = arith.subi %add3A_184, %sub3A_331 : i32
      %mul3A_333 = arith.constant 2 : i32
      %mul3A_334 = arith.muli %sub3A_332, %mul3A_333 : i32
      %add3A_335 = arith.addi %mul3A_2, %mul3A_334 : i32
      %dma_wait3A_336 = arith.constant 0 : i32
      %dma_wait3A_337 = arith.constant 0 : i32
      %dma_wait3A_338 = arith.constant 0 : i32
      %dma_wait3A_339 = tpu.memref_slice %arg7[%dma_wait3A_336, %dma_wait3A_337, %dma_wait3A_338] : memref<2x128x128xf32, #tpu.memory_space<vmem>> -> memref<2x128x32xf32, #tpu.memory_space<vmem>>
      %dma_wait3A_340 = arith.constant 0 : i32
      %dma_wait3A_341 = arith.constant 0 : i32
      %dma_wait3A_342 = tpu.memref_slice %arg4[%add3A_335, %dma_wait3A_340, %dma_wait3A_341] : memref<6400x128x32xf32, #tpu.memory_space<hbm>> -> memref<2x128x32xf32, #tpu.memory_space<hbm>>
      %dma_wait3A_343 = arith.constant 0 : i32
      %dma_wait3A_344 = arith.constant 0 : i32
      %dma_wait3A_345 = tpu.memref_slice %arg4[%add3A_335, %dma_wait3A_343, %dma_wait3A_344] : memref<6400x128x32xf32, #tpu.memory_space<hbm>> -> memref<2x128x32xf32, #tpu.memory_space<hbm>>
      %dma_wait3A_346 = arith.constant 0 : i32
      %dma_wait3A_347 = arith.constant 0 : i32
      %dma_wait3A_348 = arith.constant 0 : i32
      %dma_wait3A_349 = tpu.memref_slice %arg7[%dma_wait3A_346, %dma_wait3A_347, %dma_wait3A_348] : memref<2x128x128xf32, #tpu.memory_space<vmem>> -> memref<2x128x32xf32, #tpu.memory_space<vmem>>
      tpu.wait_dma2 semaphore(%arg11 : memref<!tpu.dma_semaphore, #tpu.memory_space<semaphore_mem>>) src(%dma_wait3A_349 : memref<2x128x32xf32, #tpu.memory_space<vmem>>) dst(%dma_wait3A_345 : memref<2x128x32xf32, #tpu.memory_space<hbm>>)
      %mul3A_350 = arith.constant 2 : i32
      %mul3A_351 = arith.muli %add3A_184, %mul3A_350 : i32
      %add3A_352 = arith.constant 0 : i32
      %add3A_353 = arith.addi %mul3A_351, %add3A_352 : i32
      %dma_start3A_354 = arith.constant 0 : i32
      %dma_start3A_355 = arith.constant 0 : i32
      %dma_start3A_356 = arith.constant 0 : i32
      %dma_start3A_357 = tpu.memref_slice %arg7[%dma_start3A_354, %dma_start3A_355, %dma_start3A_356] : memref<2x128x128xf32, #tpu.memory_space<vmem>> -> memref<1x128x128xf32, #tpu.memory_space<vmem>>
      %dma_start3A_358 = tpu.memref_squeeze %dma_start3A_357 : memref<1x128x128xf32, #tpu.memory_space<vmem>> -> memref<128x128xf32, #tpu.memory_space<vmem>>
      %dma_start3A_359 = arith.constant 0 : i32
      %dma_start3A_360 = tpu.memref_slice %arg5[%add3A_353, %dma_start3A_359] : memref<200x128xi32, #tpu.memory_space<vmem>> -> memref<1x128xi32, #tpu.memory_space<vmem>>
      %dma_start3A_361 = tpu.memref_squeeze %dma_start3A_360 : memref<1x128xi32, #tpu.memory_space<vmem>> -> memref<128xi32, #tpu.memory_space<vmem>>
      %dma_start3A_362 = arith.constant 0 : i32
      %dma_start3A_363 = arith.constant 0 : i32
      %dma_start3A_364 = tpu.memref_slice %arg3[%dma_start3A_362, %dma_start3A_363] : memref<1000000x128xf32, #tpu.memory_space<hbm>> -> memref<1000000x128xf32, #tpu.memory_space<hbm>>
      tpu.enqueue_indirect_dma source(%dma_start3A_364 : memref<1000000x128xf32, #tpu.memory_space<hbm>>) target(%dma_start3A_358 : memref<128x128xf32, #tpu.memory_space<vmem>>) offsets(%dma_start3A_361 : memref<128xi32, #tpu.memory_space<vmem>>) semaphore(%arg9 : memref<!tpu.dma_semaphore, #tpu.memory_space<semaphore_mem>>)
      %mul3A_365 = arith.constant 2 : i32
      %mul3A_366 = arith.muli %add3A_184, %mul3A_365 : i32
      %add3A_367 = arith.constant 1 : i32
      %add3A_368 = arith.addi %mul3A_366, %add3A_367 : i32
      %dma_start3A_369 = arith.constant 1 : i32
      %dma_start3A_370 = arith.constant 0 : i32
      %dma_start3A_371 = arith.constant 0 : i32
      %dma_start3A_372 = tpu.memref_slice %arg7[%dma_start3A_369, %dma_start3A_370, %dma_start3A_371] : memref<2x128x128xf32, #tpu.memory_space<vmem>> -> memref<1x128x128xf32, #tpu.memory_space<vmem>>
      %dma_start3A_373 = tpu.memref_squeeze %dma_start3A_372 : memref<1x128x128xf32, #tpu.memory_space<vmem>> -> memref<128x128xf32, #tpu.memory_space<vmem>>
      %dma_start3A_374 = arith.constant 0 : i32
      %dma_start3A_375 = tpu.memref_slice %arg5[%add3A_368, %dma_start3A_374] : memref<200x128xi32, #tpu.memory_space<vmem>> -> memref<1x128xi32, #tpu.memory_space<vmem>>
      %dma_start3A_376 = tpu.memref_squeeze %dma_start3A_375 : memref<1x128xi32, #tpu.memory_space<vmem>> -> memref<128xi32, #tpu.memory_space<vmem>>
      %dma_start3A_377 = arith.constant 0 : i32
      %dma_start3A_378 = arith.constant 0 : i32
      %dma_start3A_379 = tpu.memref_slice %arg3[%dma_start3A_377, %dma_start3A_378] : memref<1000000x128xf32, #tpu.memory_space<hbm>> -> memref<1000000x128xf32, #tpu.memory_space<hbm>>
      tpu.enqueue_indirect_dma source(%dma_start3A_379 : memref<1000000x128xf32, #tpu.memory_space<hbm>>) target(%dma_start3A_373 : memref<128x128xf32, #tpu.memory_space<vmem>>) offsets(%dma_start3A_376 : memref<128xi32, #tpu.memory_space<vmem>>) semaphore(%arg9 : memref<!tpu.dma_semaphore, #tpu.memory_space<semaphore_mem>>)
    }
    %scan3A_99 = arith.constant 49 : i32
    %dma_wait3A_100 = arith.constant 0 : i32
    %dma_wait3A_101 = arith.constant 0 : i32
    %dma_wait3A_102 = arith.constant 0 : i32
    %dma_wait3A_103 = tpu.memref_slice %arg7[%dma_wait3A_100, %dma_wait3A_101, %dma_wait3A_102] : memref<2x128x128xf32, #tpu.memory_space<vmem>> -> memref<1x128x128xf32, #tpu.memory_space<vmem>>
    %dma_wait3A_104 = tpu.memref_squeeze %dma_wait3A_103 : memref<1x128x128xf32, #tpu.memory_space<vmem>> -> memref<128x128xf32, #tpu.memory_space<vmem>>
    %dma_wait3A_105 = arith.constant 0 : i32
    %dma_wait3A_106 = arith.constant 0 : i32
    %dma_wait3A_107 = tpu.memref_slice %arg3[%dma_wait3A_105, %dma_wait3A_106] : memref<1000000x128xf32, #tpu.memory_space<hbm>> -> memref<128x128xf32, #tpu.memory_space<hbm>>
    %dma_wait3A_108 = arith.constant 0 : i32
    %dma_wait3A_109 = arith.constant 0 : i32
    %dma_wait3A_110 = tpu.memref_slice %arg7[%dma_wait3A_100, %dma_wait3A_108, %dma_wait3A_109] : memref<2x128x128xf32, #tpu.memory_space<vmem>> -> memref<1x128x128xf32, #tpu.memory_space<vmem>>
    %dma_wait3A_111 = tpu.memref_squeeze %dma_wait3A_110 : memref<1x128x128xf32, #tpu.memory_space<vmem>> -> memref<128x128xf32, #tpu.memory_space<vmem>>
    %dma_wait3A_112 = arith.constant 0 : i32
    %dma_wait3A_113 = arith.constant 0 : i32
    %dma_wait3A_114 = tpu.memref_slice %arg3[%dma_wait3A_112, %dma_wait3A_113] : memref<1000000x128xf32, #tpu.memory_space<hbm>> -> memref<128x128xf32, #tpu.memory_space<hbm>>
    tpu.wait_dma2 semaphore(%arg9 : memref<!tpu.dma_semaphore, #tpu.memory_space<semaphore_mem>>) src(%dma_wait3A_114 : memref<128x128xf32, #tpu.memory_space<hbm>>) dst(%dma_wait3A_111 : memref<128x128xf32, #tpu.memory_space<vmem>>)
    %dma_wait3A_115 = arith.constant 1 : i32
    %dma_wait3A_116 = arith.constant 0 : i32
    %dma_wait3A_117 = arith.constant 0 : i32
    %dma_wait3A_118 = tpu.memref_slice %arg7[%dma_wait3A_115, %dma_wait3A_116, %dma_wait3A_117] : memref<2x128x128xf32, #tpu.memory_space<vmem>> -> memref<1x128x128xf32, #tpu.memory_space<vmem>>
    %dma_wait3A_119 = tpu.memref_squeeze %dma_wait3A_118 : memref<1x128x128xf32, #tpu.memory_space<vmem>> -> memref<128x128xf32, #tpu.memory_space<vmem>>
    %dma_wait3A_120 = arith.constant 0 : i32
    %dma_wait3A_121 = arith.constant 0 : i32
    %dma_wait3A_122 = tpu.memref_slice %arg3[%dma_wait3A_120, %dma_wait3A_121] : memref<1000000x128xf32, #tpu.memory_space<hbm>> -> memref<128x128xf32, #tpu.memory_space<hbm>>
    %dma_wait3A_123 = arith.constant 0 : i32
    %dma_wait3A_124 = arith.constant 0 : i32
    %dma_wait3A_125 = tpu.memref_slice %arg7[%dma_wait3A_115, %dma_wait3A_123, %dma_wait3A_124] : memref<2x128x128xf32, #tpu.memory_space<vmem>> -> memref<1x128x128xf32, #tpu.memory_space<vmem>>
    %dma_wait3A_126 = tpu.memref_squeeze %dma_wait3A_125 : memref<1x128x128xf32, #tpu.memory_space<vmem>> -> memref<128x128xf32, #tpu.memory_space<vmem>>
    %dma_wait3A_127 = arith.constant 0 : i32
    %dma_wait3A_128 = arith.constant 0 : i32
    %dma_wait3A_129 = tpu.memref_slice %arg3[%dma_wait3A_127, %dma_wait3A_128] : memref<1000000x128xf32, #tpu.memory_space<hbm>> -> memref<128x128xf32, #tpu.memory_space<hbm>>
    tpu.wait_dma2 semaphore(%arg9 : memref<!tpu.dma_semaphore, #tpu.memory_space<semaphore_mem>>) src(%dma_wait3A_129 : memref<128x128xf32, #tpu.memory_space<hbm>>) dst(%dma_wait3A_126 : memref<128x128xf32, #tpu.memory_space<vmem>>)
    %add3A_130 = arith.constant 198 : i32
    %add3A_131 = arith.addi %mul3A_2, %add3A_130 : i32
    %dma_start3A_132 = arith.constant 0 : i32
    %dma_start3A_133 = arith.constant 0 : i32
    %dma_start3A_134 = arith.constant 0 : i32
    %dma_start3A_135 = tpu.memref_slice %arg7[%dma_start3A_132, %dma_start3A_133, %dma_start3A_134] : memref<2x128x128xf32, #tpu.memory_space<vmem>> -> memref<2x128x32xf32, #tpu.memory_space<vmem>>
    %dma_start3A_136 = arith.constant 0 : i32
    %dma_start3A_137 = arith.constant 0 : i32
    %dma_start3A_138 = tpu.memref_slice %arg4[%add3A_131, %dma_start3A_136, %dma_start3A_137] : memref<6400x128x32xf32, #tpu.memory_space<hbm>> -> memref<2x128x32xf32, #tpu.memory_space<hbm>>
    %dma_start3A_139 = arith.constant 0 : i32
    %dma_start3A_140 = arith.constant 0 : i32
    %dma_start3A_141 = tpu.memref_slice %arg4[%add3A_131, %dma_start3A_139, %dma_start3A_140] : memref<6400x128x32xf32, #tpu.memory_space<hbm>> -> memref<2x128x32xf32, #tpu.memory_space<hbm>>
    %dma_start3A_142 = arith.constant 0 : i32
    %dma_start3A_143 = arith.constant 0 : i32
    %dma_start3A_144 = arith.constant 0 : i32
    %dma_start3A_145 = tpu.memref_slice %arg7[%dma_start3A_142, %dma_start3A_143, %dma_start3A_144] : memref<2x128x128xf32, #tpu.memory_space<vmem>> -> memref<2x128x32xf32, #tpu.memory_space<vmem>>
    tpu.enqueue_dma source(%dma_start3A_145 : memref<2x128x32xf32, #tpu.memory_space<vmem>>) target(%dma_start3A_141 : memref<2x128x32xf32, #tpu.memory_space<hbm>>) target_semaphore(%arg11 : memref<!tpu.dma_semaphore, #tpu.memory_space<semaphore_mem>>)
    %add3A_146 = arith.constant 196 : i32
    %add3A_147 = arith.addi %mul3A_2, %add3A_146 : i32
    %dma_wait3A_148 = arith.constant 0 : i32
    %dma_wait3A_149 = arith.constant 0 : i32
    %dma_wait3A_150 = arith.constant 0 : i32
    %dma_wait3A_151 = tpu.memref_slice %arg6[%dma_wait3A_148, %dma_wait3A_149, %dma_wait3A_150] : memref<2x128x128xf32, #tpu.memory_space<vmem>> -> memref<2x128x32xf32, #tpu.memory_space<vmem>>
    %dma_wait3A_152 = arith.constant 0 : i32
    %dma_wait3A_153 = arith.constant 0 : i32
    %dma_wait3A_154 = tpu.memref_slice %arg4[%add3A_147, %dma_wait3A_152, %dma_wait3A_153] : memref<6400x128x32xf32, #tpu.memory_space<hbm>> -> memref<2x128x32xf32, #tpu.memory_space<hbm>>
    %dma_wait3A_155 = arith.constant 0 : i32
    %dma_wait3A_156 = arith.constant 0 : i32
    %dma_wait3A_157 = tpu.memref_slice %arg4[%add3A_147, %dma_wait3A_155, %dma_wait3A_156] : memref<6400x128x32xf32, #tpu.memory_space<hbm>> -> memref<2x128x32xf32, #tpu.memory_space<hbm>>
    %dma_wait3A_158 = arith.constant 0 : i32
    %dma_wait3A_159 = arith.constant 0 : i32
    %dma_wait3A_160 = arith.constant 0 : i32
    %dma_wait3A_161 = tpu.memref_slice %arg6[%dma_wait3A_158, %dma_wait3A_159, %dma_wait3A_160] : memref<2x128x128xf32, #tpu.memory_space<vmem>> -> memref<2x128x32xf32, #tpu.memory_space<vmem>>
    tpu.wait_dma2 semaphore(%arg10 : memref<!tpu.dma_semaphore, #tpu.memory_space<semaphore_mem>>) src(%dma_wait3A_161 : memref<2x128x32xf32, #tpu.memory_space<vmem>>) dst(%dma_wait3A_157 : memref<2x128x32xf32, #tpu.memory_space<hbm>>)
    %add3A_162 = arith.constant 198 : i32
    %add3A_163 = arith.addi %mul3A_2, %add3A_162 : i32
    %dma_wait3A_164 = arith.constant 0 : i32
    %dma_wait3A_165 = arith.constant 0 : i32
    %dma_wait3A_166 = arith.constant 0 : i32
    %dma_wait3A_167 = tpu.memref_slice %arg7[%dma_wait3A_164, %dma_wait3A_165, %dma_wait3A_166] : memref<2x128x128xf32, #tpu.memory_space<vmem>> -> memref<2x128x32xf32, #tpu.memory_space<vmem>>
    %dma_wait3A_168 = arith.constant 0 : i32
    %dma_wait3A_169 = arith.constant 0 : i32
    %dma_wait3A_170 = tpu.memref_slice %arg4[%add3A_163, %dma_wait3A_168, %dma_wait3A_169] : memref<6400x128x32xf32, #tpu.memory_space<hbm>> -> memref<2x128x32xf32, #tpu.memory_space<hbm>>
    %dma_wait3A_171 = arith.constant 0 : i32
    %dma_wait3A_172 = arith.constant 0 : i32
    %dma_wait3A_173 = tpu.memref_slice %arg4[%add3A_163, %dma_wait3A_171, %dma_wait3A_172] : memref<6400x128x32xf32, #tpu.memory_space<hbm>> -> memref<2x128x32xf32, #tpu.memory_space<hbm>>
    %dma_wait3A_174 = arith.constant 0 : i32
    %dma_wait3A_175 = arith.constant 0 : i32
    %dma_wait3A_176 = arith.constant 0 : i32
    %dma_wait3A_177 = tpu.memref_slice %arg7[%dma_wait3A_174, %dma_wait3A_175, %dma_wait3A_176] : memref<2x128x128xf32, #tpu.memory_space<vmem>> -> memref<2x128x32xf32, #tpu.memory_space<vmem>>
    tpu.wait_dma2 semaphore(%arg11 : memref<!tpu.dma_semaphore, #tpu.memory_space<semaphore_mem>>) src(%dma_wait3A_177 : memref<2x128x32xf32, #tpu.memory_space<vmem>>) dst(%dma_wait3A_173 : memref<2x128x32xf32, #tpu.memory_space<hbm>>)
    return
  }
}

</mosaic_0001>

<sc_bundles>
// kernel: kernel.3.cloned.1.call-start
scs
__scs_entry_jumppad:
0x0: {  	(pc) =	sbr.rel $0x88, $3  }
0x1: {  	(tag) =	ssettag $0x0;
	lr =	simm.s32 $0x1  }
0x2: {  	[smem:$0x3F9F] =	sst lr;
	_ =	strace $0xD0000000  }
0x3: {  	_ = 	snop  }
0x4: {  	_ = 	snop  }
0x5: {  	_ = 	snop  }
0x6: {  	_ = 	snop  }
0x7: {  	_ = 	snop  }
__scs_overlays_trampoline_lowered:
0x8: {  	[smem:$0x3FAE] =	sst s0  }
0x9: {  	[smem:$0x3FAF] =	sst s1  }
0xa: {  	[smem:$0x3FB0] =	sst s2  }
0xb: {  	[smem:$0x3FB1] =	sst s3  }
0xc: {  	[smem:$0x3FB2] =	sst s4  }
0xd: {  	[smem:$0x3FB3] =	sst s5  }
0xe: {  	[smem:$0x3FB4] =	sst s6  }
0xf: {  	[smem:$0x3FB5] =	sst s7  }
0x10: {  	[smem:$0x3FB6] =	sst s8  }
0x11: {  	[smem:$0x3FB7] =	sst s9;
	s0 =	simm.s32 @!p0 $0x0  }
0x12: {  	s1 =	sld [smem:$0x3F9D];
	s0 =	simm.s32 @p0 $0x1  }
0x13: {  	[smem:$0x3FB8] =	sst s0;
	s0 =	simm.s32 @!p1 $0x0  }
0x14: {  	s2 =	sld [smem:$0x3F9C];
	s0 =	simm.s32 @p1 $0x1  }
0x15: {  	[smem:$0x3FB9] =	sst s0;
	s0 =	simm.s32 @!p2 $0x0  }
0x16: {  	s3 =	sld [smem:$0x3FDB];
	s0 =	simm.s32 @p2 $0x1  }
0x17: {  	s4 =	simm.s32 $0x1BF5;
	[smem:$0x3FBB] =	sst s0  }
0x18: {  	s0 =	sld [smem:$0x3F9E];
	_ =	swait.ge [sflag:s4], $0x0  }
0x19: {  	s7 =	sld [smem:$0x3F9F]  }
0x1a: {  	s8 =	sadd.s32 $0xFFFFE003, lr  }
0x1b: {  	s9 =	sadd.s32 $0xFFFFFEF7, lr;
	s5 =	simm.s32 $0xFFFFFFFF;
	p2 =	slt.u32 s8, $0xFFFFF086  }
0x1c: {  	p1 =	slt.u32 s9, $0xF7A;
	s5 =	simm.s32 @!p2 $0x0  }
0x1d: {  	s5 =	simm.s32 @p1 $0x1;
	p0 =	seq.s32 s7, s2  }
0x1e: {  	s7 =	smul.u32 @!p0 $0xF7A, s2;
	p2 =	seq.s32 @!p0 s5, $0x0  }
0x1f: {  	s9 =	smul.u32 $0xF7A, s1;
	s8 =	simm.s32 @!p0 $0x1BF5;
	p2 =	por !p2, p0  }
0x20: {  	[sflag:s8] =	ssyncset.s32 @!p0 $0xFFFFF086;
	s6 =	sadd.s32 @!p0 s3, s7;
	s7 =	simm.s32 @!p0 $0x108  }
0x21: {  	s3 =	sadd.s32 s3, s9;
	s6 =	sadd.s32 @!p0 $0x88, s6;
	s7 =	simm.s32 @p2 $0x1082  }
0x22: {  	[simem:s7], [sflag:s8] =	dma.local @!p0 [hbm:s6], $0xF7A  }
0x23: {  	s9 =	sor.u32 $0xD0000000, s2;
	s6 =	simm.s32 $0x108;
	_ =	swait.ge @!p0 [sflag:s8], $0x0  }
0x24: {  	s3 =	sadd.s32 $0x88, s3;
	s6 =	simm.s32 @!p1 $0x1082;
	[sflag:s4] =	ssyncset.s32 $0xFFFFF086  }
0x25: {  	[simem:s6], [sflag:s4] =	dma.local [hbm:s3], $0xF7A  }
0x26: {  	[smem:$0x3F9F] =	sst s1;
	(tag) =	ssettag s2;
	_ =	strace s9  }
0x27: {  	s1 =	sld [smem:$0x3FAF]  }
0x28: {  	s2 =	sld [smem:$0x3FB0]  }
0x29: {  	s4 =	sld [smem:$0x3FB2]  }
0x2a: {  	p0 =	seq.s32 s5, $0x0;
	s5 =	sld [smem:$0x3FB3]  }
0x2b: {  	s6 =	sld [smem:$0x3FB4]  }
0x2c: {  	s7 =	sld [smem:$0x3FB5]  }
0x2d: {  	s3 =	simm.s32 $0x108;
	s8 =	sld [smem:$0x3FB6]  }
0x2e: {  	s3 =	simm.s32 @!p0 $0x1082;
	s9 =	sld [smem:$0x3FB7]  }
0x2f: {  	lr =	sadd.s32 s0, s3;
	s0 =	sld [smem:$0x3FAE]  }
0x30: {  	s3 =	sld [smem:$0x3FB1]  }
0x31: {  	[smem:$0x3FBA] =	sst s10  }
0x32: {  	s10 =	sld [smem:$0x3FB8];
	_ =	sdelay $0x3  }
0x33: {  	p0 =	seq.s32 s10, $0x1;
	s10 =	sld [smem:$0x3FBA];
	_ =	sdelay $0x3  }
0x34: {  	[smem:$0x3FBA] =	sst s10  }
0x35: {  	s10 =	sld [smem:$0x3FB9];
	_ =	sdelay $0x3  }
0x36: {  	p1 =	seq.s32 s10, $0x1;
	s10 =	sld [smem:$0x3FBA];
	_ =	sdelay $0x3  }
0x37: {  	[smem:$0x3FBA] =	sst s10  }
0x38: {  	s10 =	sld [smem:$0x3FBB]  }
0x39: {  	_ = 	snop;
	(pc) =	sbr.ind lr, $3  }
0x3a: {  	_ = 	snop  }
0x3b: {  	_ = 	snop  }
0x3c: {  	p2 =	seq.s32 s10, $0x1;
	s10 =	sld [smem:$0x3FBA]  }
0x3d: {  	_ =	shalt  }
0x3e: {  	_ =	shalt  }
0x3f: {  	_ =	shalt  }
0x40: {  	_ =	shalt  }
0x41: {  	_ =	shalt  }
0x42: {  	_ =	shalt  }
0x43: {  	_ =	shalt  }
0x44: {  	_ =	shalt  }
0x45: {  	_ =	shalt  }
0x46: {  	_ =	shalt  }
0x47: {  	_ =	shalt  }
0x48: {  	_ =	shalt  }
0x49: {  	_ =	shalt  }
0x4a: {  	_ =	shalt  }
0x4b: {  	_ =	shalt  }
0x4c: {  	_ =	shalt  }
0x4d: {  	_ =	shalt  }
0x4e: {  	_ =	shalt  }
0x4f: {  	_ =	shalt  }
0x50: {  	_ =	shalt  }
0x51: {  	_ =	shalt  }
0x52: {  	_ =	shalt  }
0x53: {  	_ =	shalt  }
0x54: {  	_ =	shalt  }
0x55: {  	_ =	shalt  }
0x56: {  	_ =	shalt  }
0x57: {  	_ =	shalt  }
0x58: {  	_ =	shalt  }
0x59: {  	_ =	shalt  }
0x5a: {  	_ =	shalt  }
0x5b: {  	_ =	shalt  }
0x5c: {  	_ =	shalt  }
0x5d: {  	_ =	shalt  }
0x5e: {  	_ =	shalt  }
0x5f: {  	_ =	shalt  }
0x60: {  	_ =	shalt  }
0x61: {  	_ =	shalt  }
0x62: {  	_ =	shalt  }
0x63: {  	_ =	shalt  }
0x64: {  	_ =	shalt  }
0x65: {  	_ =	shalt  }
0x66: {  	_ =	shalt  }
0x67: {  	_ =	shalt  }
0x68: {  	_ =	shalt  }
0x69: {  	_ =	shalt  }
0x6a: {  	_ =	shalt  }
0x6b: {  	_ =	shalt  }
0x6c: {  	_ =	shalt  }
0x6d: {  	_ =	shalt  }
0x6e: {  	_ =	shalt  }
0x6f: {  	_ =	shalt  }
0x70: {  	_ =	shalt  }
0x71: {  	_ =	shalt  }
0x72: {  	_ =	shalt  }
0x73: {  	_ =	shalt  }
0x74: {  	_ =	shalt  }
0x75: {  	_ =	shalt  }
0x76: {  	_ =	shalt  }
0x77: {  	_ =	shalt  }
0x78: {  	_ =	shalt  }
0x79: {  	_ =	shalt  }
0x7a: {  	_ =	shalt  }
0x7b: {  	_ =	shalt  }
0x7c: {  	_ =	shalt  }
0x7d: {  	_ =	shalt  }
0x7e: {  	_ =	shalt  }
0x7f: {  	_ =	shalt  }
0x80: {  	_ =	shalt  }
0x81: {  	_ =	shalt  }
0x82: {  	_ =	shalt  }
0x83: {  	_ =	shalt  }
0x84: {  	_ =	shalt  }
0x85: {  	_ =	shalt  }
0x86: {  	_ =	shalt  }
0x87: {  	_ =	shalt  }
.Lfunc_end0:
.L_simem_size_0:
called_computation.1_lowered:
.L_overlay_start_0:
0x88: {  	s2 =	sld [smem:$0x3FD9]  }
0x89: {  	s3 =	sld [smem:$0x3FFE];
	_ =	sdelay $0x1  }
0x8a: {  	s1 =	srdreg.scid  }
0x8b: {  	s0 =	sand.u32 $0x1, s1  }
0x8c: {  	s17 =	sshll.u32 s0, $0xA;
	s2 =	sadd.s32 s3, s2  }
0x8d: {  	s2 =	sadd.s32 s2, s17  }
0x8e: {  	[smem:$0x3FC6] =	sst s2  }
0x8f: {  	_ = 	snop  }
0x90: {  	s2 =	sld [smem:$0x3FD0];
	(tm) =	ssettm $0x1  }
0x91: {  	s18 =	sld [smem:$0x3FFB];
	_ =	sdelay $0x3  }
0x92: {  	_ =	strace s18  }
0x93: {  	s3 =	sld [smem:$0x3FFC];
	_ =	sdelay $0x3  }
0x94: {  	_ =	strace s3  }
0x95: {  	s3 =	sld [smem:$0x3FFD];
	_ =	sdelay $0x3  }
0x96: {  	_ =	strace s3  }
0x97: {  	_ =	strace $0x8FFFFFFF  }
0x98: {  	s19 =	sld [smem:$0x3FDB];
	_ =	sdelay $0x1  }
0x99: {  	s4 =	simm.s32 $_scs_section_size  }
0x9a: {  	s5 =	simm.s32 $_size__tile_overlayer_lowered;
	s6 =	simm.s32 $_tile_overlayer_lowered  }
0x9b: {  	s22 =	simm.s32 $0x1BFF;
	s21 =	sshll.u32 s6, $0x1;
	s3 =	sadd.s32 s4, s19  }
0x9c: {  	s7 =	simm.s32 $0x0;
	s20 =	sshll.u32 s5, $0x1;
	s5 =	sadd.s32 s21, s3  }
0x9d: {  	[timem:s7], [sflag:s22] =	dma.local [hbm:s5], s20  }
0x9e: {  	_ =	swait.ge [sflag:s22], s20  }
0x9f: {  	s4 =	ssub.s32 $0x0, s20;
	[sflag:s22] =	ssyncset.done $0x0  }
0xa0: {  	[sflag:s22] =	ssyncadd.s32 s4;
	_ =	sdelay $0x1  }
0xa1: {  	s23 =	simm.s32 $0x1B8B  }
0xa2: {  	_ =	swait.ge [sflag:s23], $0x1  }
0xa3: {  	[sflag:s23] =	ssyncset.done $0x0  }
0xa4: {  	s25 =	simm.s32 $0x1B8E;
	s24 =	sld [smem:$0x3FFE];
	[sflag:s23] =	ssyncadd.s32 $0xFFFFFFFF  }
0xa5: {  	s26 =	simm.s32 $execute0_lowered;
	[smem:$0x3FD2] =	sst s25  }
0xa6: {  	s5 =	sshll.u32 s26, $0x1;
	_ =	strace $0x80000046;
	[dreg:$0x1] =	wrdreg $0xFFFFFFFF  }
0xa7: {  	s28 =	simm.s32 $_size_execute0_lowered;
	s3 =	sadd.s32 s3, s5;
	[dreg:$0x0] =	wrdreg $0x0  }
0xa8: {  	s5 =	sshll.u32 s28, $0x1;
	[dreg:$0x2] =	wrdreg s3  }
0xa9: {  	[dreg:$0x3] =	wrdreg s5  }
0xaa: {  	[dreg:$0x4] =	wrdreg $0xC0  }
0xab: {  	_ =	task [dreg:s7], $0x5FFFF  }
0xac: {  	[dreg:$0x1] =	wrdreg $0xFFFFFFFF  }
0xad: {  	[dreg:$0x0] =	wrdreg $0x60  }
0xae: {  	[dreg:$0x2] =	wrdreg s24  }
0xaf: {  	[dreg:$0x3] =	wrdreg s2  }
0xb0: {  	[dreg:$0x4] =	wrdreg $0x9  }
0xb1: {  	_ =	task.clear_ibuf [dreg:s7], $0x5FFFF;
	_ =	strace $0x90000046  }
0xb2: {  	s29 =	simm.s32 $0x9;
	_ =	strace $0x80000048  }
0xb3: {  	_ =	swait.ge [sflag:s29], $0x1  }
0xb4: {  	[sflag:s29] =	ssyncadd.s32 $0xFFFFFFFF  }
0xb5: {  	_ =	strace $0x90000048  }
0xb6: {  	_ =	sfence  }
0xb7: {  	s30 =	sld [smem:$0x0];
	_ =	sdelay $0x2  }
0xb8: {  	s31 =	sshll.u32 s1, $0xD;
	s1 =	sshrl.u32 s1, $0x2  }
0xb9: {  	s3 =	sand.u32 $0x4000, s31;
	s1 =	sadd.s32 s1, s30  }
0xba: {  	s0 =	sor.u32 s3, s0;
	s1 =	sshll.u32 s1, $0x11  }
0xbb: {  	s0 =	sor.u32 s1, s0  }
0xbc: {  	s0 =	sadd.s32 $0x8F2B, s0  }
0xbd: {  	[sflag:s0] =	ssyncadd.remote.s32 $0x1  }
0xbe: {  	_ =	sfence.sel $0xFFFF  }
0xbf: {  	[dreg:$0x0] =	wrdreg $0xFFFFFFFF;
	(pc) =	sbr.abs _section_cstart, $3  }
0xc0: {  	[dreg:$0x1] =	wrdreg $0xFFFFFFFF  }
0xc1: {  	_ =	task.clear_ibuf [dreg:s7], $0x2FFFF;
	_ =	strace $0x9FFFFFFF  }
0xc2: {  	(tm) =	ssettm $0x7FFFFFFF  }
0xc3: {  	_ =	shalt  }
tec
execute0_lowered:
.L_overlay_start_1:
0x0: {  	(tag) =	ssettag $0x1  }
0x1: {  	s5 =	rddreg [dreg:$0x0];
	s1 =	srdreg.scid  }
0x2: {  	s0 =	stileid.u32;
	s2 =	rddreg [dreg:$0x1];
	s3 =	simm.s32 $0x0  }
0x3: {  	s11 =	simm.s32 $0x5;
	s12 =	simm.s32 $0x80;
	s13 =	simm.s32 $0xA400  }
0x4: {  	s14 =	simm.s32 $0x100;
	s15 =	simm.s32 $0xE400;
	s16 =	simm.s32 $0x180  }
0x5: {  	s17 =	simm.s32 $0x12400;
	s18 =	simm.s32 $0x1;
	s19 =	simm.s32 $0x2  }
0x6: {  	s20 =	simm.s32 $0x3;
	s4 =	sand.u32 $0x1, s1;
	s6 =	sshll.u32 s0, $0x1  }
0x7: {  	s21 =	simm.s32 $0x4;
	s22 =	simm.s32 $0x0;
	s6 =	sor.u32 s4, s6  }
0x8: {  	s1 =	rddreg [dreg:$0x2];
	s8 =	ssub.s32 $0x2, s4;
	s7 =	smul.u32 $0xC80, s6  }
0x9: {  	[smem:$0x7FF] =	sst s3;
	s4 =	smul.u32 $0xC8000, s6;
	s9 =	sshrl.u32 s8, $0x1  }
0xa: {  	_ =	strace $0x80000047;
	s10 =	smul.u32 $0x19000, s6;
	s9 =	ssub.s32 s8, s9  }
0xb: {  	s7 =	sadd.s32 s7, s5;
	s5 =	sadd.s32 $0xF5BE00, s5;
	s31 =	sshrl.u32 s4, $0x3  }
0xc: {  	s9 =	smax.u32 s9, $0x1;
	s6 =	sadd.s32 $0xF42E00, s7;
	s8 =	sadd.s32 s2, s31  }
0xd: {  	s7 =	sadd.s32 s2, s10;
	s10 =	sadd.s32 $0x1FFFFC00, s10;
	s8 =	sadd.s32 $0x18C00, s8  }
.LBB2_1:
0xe: {  	[tilespmem:s3], [sflag:$0x5] =	stream.linear.gather [hbm4b:s6+s3], $0x6400, $0x38;
	[tilespmem:$0x16400] =	vst v63  }
0xf: {  	_ =	swait.ge [sflag:s11], $0x6400  }
0x10: {  	[sflag:s11] =	ssyncset.done $0x0  }
0x11: {  	s23 =	simm.s32 $0x6400;
	[sflag:s11] =	ssyncadd.s32 $0xFFFF9C00  }
0x12: {  	[tilespmem:s23], [sflag:$0x1] =	stream.indirect.gather [hbm4b:s5+s12], $0x80, s3, s12, $0xb8;
	[tilespmem:$0x16400] =	vst v63  }
0x13: {  	_ = 	snop  }
0x14: {  	[tilespmem:s13], [sflag:$0x1] =	stream.indirect.gather [hbm4b:s5+s12], $0x80, s12, s12, $0xb8;
	[tilespmem:$0x16400] =	vst v63  }
0x15: {  	_ = 	snop  }
0x16: {  	[tilespmem:s15], [sflag:$0x2] =	stream.indirect.gather [hbm4b:s5+s12], $0x80, s14, s12, $0xb8;
	[tilespmem:$0x16400] =	vst v63  }
0x17: {  	_ = 	snop  }
0x18: {  	[tilespmem:s17], [sflag:$0x2] =	stream.indirect.gather [hbm4b:s5+s12], $0x80, s16, s12, $0xb8;
	[tilespmem:$0x16400] =	vst v63  }
0x19: {  	_ =	swait.ge [sflag:s18], $0x4000  }
0x1a: {  	[sflag:s18] =	ssyncset.done $0x0  }
0x1b: {  	[sflag:s18] =	ssyncadd.s32 $0xFFFFC000  }
0x1c: {  	_ =	swait.ge [sflag:s18], $0x4000  }
0x1d: {  	[sflag:s18] =	ssyncset.done $0x0  }
0x1e: {  	s24 =	simm.s32 $0x0;
	[sflag:s18] =	ssyncadd.s32 $0xFFFFC000  }
.LBB2_2:
0x1f: {  	p0 =	sne.s32 s24, $0x3FC  }
.Ltmp0:
0x20: {  	_ = 	snop;
	(pc) =	sbr.rel @p0 .LBB2_2-.Ltmp0, $4  }
0x21: {  	_ = 	snop  }
0x22: {  	s25 =	sadd.s32 s24, s7  }
0x23: {  	[hbm4b:s25+s3] =	stream.linear.scatter [tilespmem:s23], [sflag:$0x3], $0x20, $0x38;
	[tilespmem:$0x16400] =	vst v63  }
0x24: {  	s24 =	sadd.s32 $0x4, s24;
	s23 =	sadd.s32 $0x80, s23  }
0x25: {  	s23 =	simm.s32 $0x1  }
.LBB2_4:
0x26: {  	_ =	swait.ge [sflag:s19], $0x4000  }
0x27: {  	s24 =	sshll.u32 s23, $0xB;
	[sflag:s19] =	ssyncset.done $0x0  }
0x28: {  	s25 =	sadd.s32 s10, s24;
	[sflag:s19] =	ssyncadd.s32 $0xFFFFC000  }
0x29: {  	s26 =	simm.s32 $0xE400;
	s25 =	sand.u32 $0x1FFFFC00, s25;
	_ =	swait.ge [sflag:s19], $0x4000  }
0x2a: {  	s28 =	simm.s32 $0x4;
	s25 =	sadd.s32 s2, s25;
	[sflag:s19] =	ssyncset.done $0x0  }
0x2b: {  	s29 =	simm.s32 $0xE480;
	s30 =	sadd.s32 $0x0, s25;
	[sflag:s19] =	ssyncadd.s32 $0xFFFFC000  }
.LBB2_5:
0x2c: {  	[hbm4b:s30+s3] =	stream.linear.scatter [tilespmem:s26], [sflag:$0x4], $0x20, $0x38;
	[tilespmem:$0x16400] =	vst v63  }
0x2d: {  	s30 =	smov.u32 s28;
	s26 =	smov.u32 s29;
	p0 =	sne.s32 s28, $0x3FC  }
.Ltmp1:
0x2e: {  	s28 =	sadd.s32 $0x4, s28;
	(pc) =	sbr.rel @p0 .LBB2_5-.Ltmp1, $2  }
0x2f: {  	_ =	sdelay $0x2  }
0x30: {  	s29 =	sadd.s32 $0x80, s29;
	s30 =	sadd.s32 s30, s25  }
0x31: {  	[hbm4b:s30+s3] =	stream.linear.scatter [tilespmem:s26], [sflag:$0x4], $0x20, $0x38;
	[tilespmem:$0x16400] =	vst v63  }
0x32: {  	_ =	swait.ge [sflag:s20], $0x2000  }
0x33: {  	[sflag:s20] =	ssyncset.done $0x0  }
0x34: {  	s24 =	sshra.s32 s24, $0x2;
	s25 =	simm.s32 $0x6400;
	[sflag:s20] =	ssyncadd.s32 $0xFFFFE000  }
0x35: {  	[tilespmem:s25], [sflag:$0x1] =	stream.indirect.gather [hbm4b:s5+s12], $0x80, s24, s12, $0xb8;
	[tilespmem:$0x16400] =	vst v63  }
0x36: {  	s31 =	sadd.s32 $0x80, s24  }
0x37: {  	[tilespmem:s13], [sflag:$0x1] =	stream.indirect.gather [hbm4b:s5+s12], $0x80, s31, s12, $0xb8;
	[tilespmem:$0x16400] =	vst v63  }
0x38: {  	_ =	swait.ge [sflag:s18], $0x4000  }
0x39: {  	s31 =	sshll.u32 s23, $0xE;
	[sflag:s18] =	ssyncset.done $0x0  }
0x3a: {  	s26 =	sadd.s32 s4, s31;
	[sflag:s18] =	ssyncadd.s32 $0xFFFFC000  }
0x3b: {  	s26 =	sshrl.u32 s26, $0x3;
	_ =	swait.ge [sflag:s18], $0x4000  }
0x3c: {  	s28 =	simm.s32 $0x4;
	s26 =	sadd.s32 s2, s26;
	[sflag:s18] =	ssyncset.done $0x0  }
0x3d: {  	s29 =	simm.s32 $0x6480;
	s30 =	sadd.s32 $0x0, s26;
	[sflag:s18] =	ssyncadd.s32 $0xFFFFC000  }
.LBB2_7:
0x3e: {  	[hbm4b:s30+s3] =	stream.linear.scatter [tilespmem:s25], [sflag:$0x3], $0x20, $0x38;
	[tilespmem:$0x16400] =	vst v63  }
0x3f: {  	s30 =	smov.u32 s28;
	s25 =	smov.u32 s29;
	p0 =	sne.s32 s28, $0x3FC  }
.Ltmp2:
0x40: {  	s28 =	sadd.s32 $0x4, s28;
	(pc) =	sbr.rel @p0 .LBB2_7-.Ltmp2, $2  }
0x41: {  	_ =	sdelay $0x2  }
0x42: {  	s29 =	sadd.s32 $0x80, s29;
	s30 =	sadd.s32 s30, s26  }
0x43: {  	[hbm4b:s30+s3] =	stream.linear.scatter [tilespmem:s25], [sflag:$0x3], $0x20, $0x38;
	[tilespmem:$0x16400] =	vst v63  }
0x44: {  	s23 =	sadd.s32 $0x1, s23  }
0x45: {  	_ =	swait.ge [sflag:s21], $0x2000;
	p0 =	sne.s32 s23, $0x32  }
.Ltmp3:
0x46: {  	[sflag:s21] =	ssyncset.done $0x0;
	(pc) =	sbr.rel @p0 .LBB2_4-.Ltmp3, $4  }
0x47: {  	s30 =	sadd.s32 $0x100, s24;
	[sflag:s21] =	ssyncadd.s32 $0xFFFFE000  }
0x48: {  	[tilespmem:s15], [sflag:$0x2] =	stream.indirect.gather [hbm4b:s5+s12], $0x80, s30, s12, $0xb8;
	[tilespmem:$0x16400] =	vst v63  }
0x49: {  	s31 =	sadd.s32 $0x180, s24  }
0x4a: {  	[tilespmem:s17], [sflag:$0x2] =	stream.indirect.gather [hbm4b:s5+s12], $0x80, s31, s12, $0xb8;
	[tilespmem:$0x16400] =	vst v63  }
0x4b: {  	_ =	swait.ge [sflag:s19], $0x4000  }
0x4c: {  	[sflag:s19] =	ssyncset.done $0x0  }
0x4d: {  	[sflag:s19] =	ssyncadd.s32 $0xFFFFC000  }
0x4e: {  	_ =	swait.ge [sflag:s19], $0x4000  }
0x4f: {  	s23 =	simm.s32 $0xE400;
	s24 =	simm.s32 $0x4;
	[sflag:s19] =	ssyncset.done $0x0  }
0x50: {  	s26 =	sadd.s32 $0x0, s8;
	s25 =	simm.s32 $0xE480;
	[sflag:s19] =	ssyncadd.s32 $0xFFFFC000  }
.LBB2_10:
0x51: {  	[hbm4b:s26+s3] =	stream.linear.scatter [tilespmem:s23], [sflag:$0x4], $0x20, $0x38;
	[tilespmem:$0x16400] =	vst v63  }
0x52: {  	s26 =	smov.u32 s24;
	s23 =	smov.u32 s25;
	p0 =	sne.s32 s24, $0x3FC  }
.Ltmp4:
0x53: {  	s24 =	sadd.s32 $0x4, s24;
	(pc) =	sbr.rel @p0 .LBB2_10-.Ltmp4, $2  }
0x54: {  	_ =	sdelay $0x2  }
0x55: {  	s25 =	sadd.s32 $0x80, s25;
	s26 =	sadd.s32 s26, s8  }
0x56: {  	[hbm4b:s26+s3] =	stream.linear.scatter [tilespmem:s23], [sflag:$0x4], $0x20, $0x38;
	[tilespmem:$0x16400] =	vst v63  }
0x57: {  	s22 =	sadd.s32 $0x1, s22  }
0x58: {  	_ =	swait.ge [sflag:s20], $0x2000;
	p0 =	sne.s32 s22, s9  }
.Ltmp5:
0x59: {  	[sflag:s20] =	ssyncset.done $0x0;
	(pc) =	sbr.rel @p0 .LBB2_1-.Ltmp5, $4  }
0x5a: {  	[sflag:s20] =	ssyncadd.s32 $0xFFFFE000  }
0x5b: {  	_ =	swait.ge [sflag:s21], $0x2000  }
0x5c: {  	[sflag:s21] =	ssyncset.done $0x0  }
0x5d: {  	[sflag:s21] =	ssyncadd.s32 $0xFFFFE000  }
0x5e: {  	_ =	sfence.sel $0x180000  }
0x5f: {  	[bflag:$0x0] =	sbarrier.arrive $0xFFFF  }
0x60: {  	p0 =	sne.s32 s0, $0x0;
	_ =	strace $0x90000047  }
0x61: {  	s0 =	sadd.s32 @!p0 $0x100000, s1;
	[bflag:$0x2] =	sbarrier.arrive $0xFFFF  }
0x62: {  	[sflag:s0] =	ssyncadd.tile.s32 @!p0 $0x1;
	_ =	shalt  }
.Lfunc_end2:
_tile_overlayer_lowered:
.L_overlay_start_2:
0x63: {  	(tag) =	ssettag $0x2  }
0x64: {  	s0 =	rddreg [dreg:$0x0];
	s2 =	stileid.u32  }
0x65: {  	s1 =	rddreg [dreg:$0x1];
	p0 =	sne.s32 s2, $0x0  }
0x66: {  	s3 =	rddreg [dreg:$0x2];
	[bflag:$0x3] =	sbarrier.arrive $0xFFFF;
	s2 =	simm.s32 @!p0 $0x1C05  }
0x67: {  	[timem:s3], [sflag:s2] =	dma.local @!p0 [hbm:s0], s1  }
0x68: {  	s0 =	simm.s32 @!p0 $0x5  }
0x69: {  	_ =	swait.ge @!p0 [sflag:s0], s1  }
0x6a: {  	s1 =	ssub.s32 @!p0 $0x0, s1;
	[sflag:s0] =	ssyncset.done @!p0 $0x0  }
0x6b: {  	[sflag:s0] =	ssyncadd.s32 @!p0 s1  }
0x6c: {  	[bflag:$0x3] =	sbarrier.arrive $0xFFFF  }
0x6d: {  	_ =	shalt  }

// kernel: sparse-core-data-format-call.cloned.1.call-start
scs
called_computation_lowered:
.L_overlay_start_0:
0x0: {  	s2 =	sld [smem:$0x3FD9]  }
0x1: {  	s3 =	sld [smem:$0x3FFE];
	_ =	sdelay $0x1  }
0x2: {  	s1 =	srdreg.scid  }
0x3: {  	s0 =	sand.u32 $0x1, s1  }
0x4: {  	s18 =	sshll.u32 s0, $0xA;
	s2 =	sadd.s32 s3, s2  }
0x5: {  	s2 =	sadd.s32 s2, s18  }
0x6: {  	[smem:$0x3FC6] =	sst s2  }
0x7: {  	_ = 	snop  }
0x8: {  	s2 =	sld [smem:$0x3FD0];
	(tm) =	ssettm $0x1  }
0x9: {  	s19 =	sld [smem:$0x3FFB];
	_ =	sdelay $0x3  }
0xa: {  	_ =	strace s19  }
0xb: {  	s3 =	sld [smem:$0x3FFC];
	_ =	sdelay $0x3  }
0xc: {  	_ =	strace s3  }
0xd: {  	s3 =	sld [smem:$0x3FFD];
	_ =	sdelay $0x3  }
0xe: {  	_ =	strace s3  }
0xf: {  	_ =	strace $0x8FFFFFFF  }
0x10: {  	s20 =	sld [smem:$0x3FDB];
	_ =	sdelay $0x1  }
0x11: {  	s4 =	simm.s32 $_scs_section_size  }
0x12: {  	s5 =	simm.s32 $_size__tile_overlayer_lowered;
	s6 =	simm.s32 $_tile_overlayer_lowered  }
0x13: {  	s23 =	simm.s32 $0x1BFF;
	s22 =	sshll.u32 s6, $0x1;
	s3 =	sadd.s32 s4, s20  }
0x14: {  	s7 =	simm.s32 $0x0;
	s21 =	sshll.u32 s5, $0x1;
	s5 =	sadd.s32 s22, s3  }
0x15: {  	[timem:s7], [sflag:s23] =	dma.local [hbm:s5], s21  }
0x16: {  	_ =	swait.ge [sflag:s23], s21  }
0x17: {  	s4 =	ssub.s32 $0x0, s21;
	[sflag:s23] =	ssyncset.done $0x0  }
0x18: {  	[sflag:s23] =	ssyncadd.s32 s4;
	_ =	sdelay $0x1  }
0x19: {  	s24 =	simm.s32 $0x1B8B  }
0x1a: {  	_ =	swait.ge [sflag:s24], $0x1  }
0x1b: {  	[sflag:s24] =	ssyncset.done $0x0  }
0x1c: {  	s26 =	simm.s32 $0x1B8E;
	s25 =	sld [smem:$0x3FFE];
	[sflag:s24] =	ssyncadd.s32 $0xFFFFFFFF  }
0x1d: {  	s27 =	simm.s32 $execute0_lowered;
	[smem:$0x3FD2] =	sst s26  }
0x1e: {  	s5 =	sshll.u32 s27, $0x1;
	_ =	strace $0x80000049;
	[dreg:$0x1] =	wrdreg $0xFFFFFFFF  }
0x1f: {  	s28 =	simm.s32 $_size_execute0_lowered;
	s3 =	sadd.s32 s3, s5;
	[dreg:$0x0] =	wrdreg $0x0  }
0x20: {  	s5 =	sshll.u32 s28, $0x1;
	[dreg:$0x2] =	wrdreg s3  }
0x21: {  	[dreg:$0x3] =	wrdreg s5  }
0x22: {  	[dreg:$0x4] =	wrdreg $0xC0  }
0x23: {  	_ =	task [dreg:s7], $0x5FFFF  }
0x24: {  	[dreg:$0x1] =	wrdreg $0xFFFFFFFF  }
0x25: {  	[dreg:$0x0] =	wrdreg $0x60  }
0x26: {  	[dreg:$0x2] =	wrdreg s25  }
0x27: {  	[dreg:$0x3] =	wrdreg s2  }
0x28: {  	[dreg:$0x4] =	wrdreg $0x9  }
0x29: {  	_ =	task.clear_ibuf [dreg:s7], $0x5FFFF;
	_ =	strace $0x90000049  }
0x2a: {  	s29 =	simm.s32 $0x9;
	_ =	strace $0x8000004B  }
0x2b: {  	_ =	swait.ge [sflag:s29], $0x1  }
0x2c: {  	[sflag:s29] =	ssyncadd.s32 $0xFFFFFFFF  }
0x2d: {  	_ =	strace $0x9000004B  }
0x2e: {  	_ =	sfence  }
0x2f: {  	s30 =	sld [smem:$0x0];
	_ =	sdelay $0x2  }
0x30: {  	s31 =	sshll.u32 s1, $0xD;
	s1 =	sshrl.u32 s1, $0x2  }
0x31: {  	s3 =	sand.u32 $0x4000, s31;
	s1 =	sadd.s32 s1, s30  }
0x32: {  	s0 =	sor.u32 s3, s0;
	s1 =	sshll.u32 s1, $0x11  }
0x33: {  	s0 =	sor.u32 s1, s0  }
0x34: {  	s0 =	sadd.s32 $0x8F2B, s0  }
0x35: {  	[sflag:s0] =	ssyncadd.remote.s32 $0x1  }
0x36: {  	_ =	sfence.sel $0xFFFF  }
0x37: {  	[dreg:$0x0] =	wrdreg $0xFFFFFFFF;
	(pc) =	sbr.abs _section_cstart, $3  }
0x38: {  	[dreg:$0x1] =	wrdreg $0xFFFFFFFF  }
0x39: {  	_ =	task.clear_ibuf [dreg:s7], $0x2FFFF;
	_ =	strace $0x9FFFFFFF  }
0x3a: {  	(tm) =	ssettm $0x7FFFFFFF  }
0x3b: {  	_ =	shalt  }
tec
execute0_lowered:
.L_overlay_start_1:
0x0: {  	(tag) =	ssettag $0x1  }
0x1: {  	s0 =	srdreg.scid  }
0x2: {  	s1 =	sshll.u32 s0, $0x4  }
0x3: {  	s0 =	stileid.u32;
	s1 =	sand.u32 $0x10, s1  }
0x4: {  	s1 =	sor.u32 s0, s1  }
0x5: {  	s6 =	rddreg [dreg:$0x0];
	s4 =	simm.s32 $0x1;
	s2 =	sshll.u32 s1, $0x7  }
0x6: {  	s7 =	simm.s32 $0x2;
	s12 =	simm.s32 $0x0;
	s1 =	ssub.s32 $0x1000, s2  }
0x7: {  	s8 =	simm.s32 $0x8000;
	s13 =	simm.s32 $0x0;
	s3 =	sand.u32 $0xF80, s1  }
0x8: {  	s9 =	simm.s32 $0x0;
	s5 =	sshrl.u32 s1, $0xC;
	p0 =	sne.s32 s3, $0x0  }
.Ltmp0:
0x9: {  	s1 =	rddreg [dreg:$0x2];
	s4 =	simm.s32 @!p0 $0x0;
	(pc) =	sbr.rel .LBB1_1-.Ltmp0, $4  }
0xa: {  	s11 =	simm.s32 $0x0;
	s3 =	rddreg [dreg:$0x1];
	s5 =	sadd.s32 s4, s5  }
0xb: {  	_ =	strace $0x8000004A;
	s4 =	simm.s32 $0x1;
	s5 =	smul.u32 $0xC8, s5  }
0xc: {  	s6 =	sadd.s32 $0xA00, s6;
	s10 =	smov.u32 s2;
	[sflag:s4] =	ssyncpa.u1 $0x0  }
0xd: {  	p0 =	por $0x0, $0x0;
	[sflag:s7] =	ssyncpa.u1 $0x0;
	s7 =	sor.u32 $0x1, s5  }
.LBB1_4:
0xe: {  	s16 =	sshll.u32 s13, $0x3;
	s17 =	sand.u32 $0x78, s13  }
0xf: {  	s30 =	sand.u32 $0x3E00, s13;
	s12 =	sshll.u32 s12, $0xE;
	s16 =	sand.u32 $0xC00, s16  }
0x10: {  	s31 =	sand.u32 $0x7, s13;
	s16 =	sor.u32 s17, s16;
	s17 =	sadd.s32 s3, s30  }
0x11: {  	s13 =	sshll.u32 s31, $0x12;
	s16 =	sshrl.u32 s16, $0x3;
	s12 =	sadd.s32 s12, s17  }
0x12: {  	[tilespmem:s15+$0x0 ss:$0x81] =	vst.msk $0xffff, v0;
	s13 =	sor.u32 $0x400, s13;
	s12 =	sadd.s32 s16, s12  }
0x13: {  	[hbm4b:s12+s13] =	stream.strided.scatter [tilespmem:s14], [sflag:$0x2], $0x1000, s8, s13, $0x20;
	[tilespmem:$0x4040] =	vst v63  }
.LBB1_5:
0x14: {  	s14 =	sadd.s32 $0x1, s9  }
0x15: {  	s12 =	sadd.s32 $0x1000, s10;
	s16 =	smov.u32 s10;
	p2 =	sgt.s32 s14, $0xC7  }
0x16: {  	s16 =	smov.u32 @p2 s12  }
0x17: {  	s14 =	simm.s32 @p2 $0x0;
	p2 =	sgt.s32 s16, $0xFFF  }
0x18: {  	s16 =	smov.u32 @p2 s2;
	p2 =	sne.s32 s11, s7  }
.Ltmp1:
0x19: {  	p1 =	slt.u32 s11, $0x2;
	(pc) =	sbr.rel @!p2 .LBB1_6-.Ltmp1, $4  }
0x1a: {  	s15 =	simm.s32 @!p1 $0x2  }
0x1b: {  	s13 =	smov.u32 s10;
	p0 =	por !p0, !p0;
	_ =	swait.ge @!p1 [sflag:s15], $0x1000  }
0x1c: {  	s12 =	smov.u32 s9;
	[sflag:s15] =	ssyncset.done @!p1 $0x0;
	s9 =	smov.u32 s14  }
0x1d: {  	s11 =	sadd.s32 $0x1, s11;
	[sflag:s15] =	ssyncadd.s32 @!p1 $0xFFFFF000;
	s10 =	smov.u32 s16  }
.LBB1_1:
0x1e: {  	p1 =	sge.u32 s11, s5  }
0x1f: {  	s14 =	sand.u32 @!p1 $0x1FFFFFF, s9  }
0x20: {  	s15 =	smulhi.u32 @!p1 $0x147AE15, s14;
	_ =	sdelay $0x1  }
0x21: {  	s15 =	smul.u32 @!p1 $0xC8, s15  }
0x22: {  	s16 =	sxor.u32 @!p1 $0xFFFFFFFF, s11;
	s17 =	smul.u32 @!p1 $0xC80, s10  }
0x23: {  	s31 =	sadd.s32 $0xFFFFFFFF, s11;
	s16 =	sshll.u32 @!p1 s16, $0xC;
	s14 =	ssub.s32 @!p1 s14, s15  }
0x24: {  	s15 =	sand.u32 @!p1 $0x1000, s16;
	s16 =	sadd.s32 @!p1 s6, s17;
	s14 =	sshll.u32 @!p1 s14, $0x4  }
0x25: {  	s17 =	simm.s32 @!p1 $0x6400;
	s14 =	sadd.s32 @!p1 s14, s16;
	s16 =	simm.s32 @!p1 $0x20  }
0x26: {  	[tilespmem:s15], [sflag:$0x1] =	stream.strided.gather @!p1 [hbm4b:s14+s16], $0x1000, s17, s16, $0x38;
	[tilespmem:$0x4040] =	vst v63  }
0x27: {  	p1 =	sge.u32 s31, s5  }
.Ltmp2:
0x28: {  	_ = 	snop;
	(pc) =	sbr.rel @p1 .LBB1_5-.Ltmp2, $1  }
0x29: {  	_ =	sdelay $0x3  }
0x2a: {  	s14 =	simm.s32 $0x1  }
0x2b: {  	_ =	swait.ge [sflag:s4], $0x1000;
	s14 =	simm.s32 @!p0 $0x0  }
0x2c: {  	[sflag:s4] =	ssyncset.done $0x0;
	s15 =	sshll.u32 s14, $0xC  }
0x2d: {  	[sflag:s4] =	ssyncadd.s32 $0xFFFFF000;
	s18 =	sor.u32 $0x10, s15  }
0x2e: {  	s14 =	smul.u32 $0x4080, s14;
	v1 =	vld [tilespmem:s18+$0x0]  }
0x2f: {  	s30 =	sand.u32 $0x1, s11;
	v0 =	vld [tilespmem:s18+$0xFFFFFFF0]  }
0x30: {  	s15 =	smul.u32 $0x4080, s30;
	s14 =	sshrl.u32 s14, $0x2  }
0x31: {  	s16 =	sor.u32 $0x2000, s14  }
0x32: {  	s31 =	sshrl.u32 s15, $0x2;
	s15 =	sadd.s32 $0x0, s16  }
0x33: {  	s17 =	simm.s32 $0x4;
	s18 =	sadd.s32 $0x20, s18;
	s14 =	sor.u32 $0x2000, s31;
	[tilespmem:s15+$0x810 ss:$0x81] =	vst.msk $0xffff, v1  }
.LBB1_3:
0x34: {  	v1 =	vld [tilespmem:s18+$0x0];
	p1 =	sne.s32 s17, $0x1FC;
	[tilespmem:s15+$0x0 ss:$0x81] =	vst.msk $0xffff, v0;
	s15 =	smov.u32 s17;
	s17 =	sadd.s32 $0x4, s17  }
.Ltmp3:
0x35: {  	v0 =	vld [tilespmem:s18+$0xFFFFFFF0];
	(pc) =	sbr.rel @p1 .LBB1_3-.Ltmp3, $4  }
0x36: {  	_ = 	snop  }
0x37: {  	s15 =	sshra.s32 s15, $0x2  }
0x38: {  	s15 =	sadd.s32 s15, s16  }
0x39: {  	s18 =	sadd.s32 $0x20, s18;
	[tilespmem:s15+$0x810 ss:$0x81] =	vst.msk $0xffff, v1  }
.Ltmp4:
0x3a: {  	_ = 	snop;
	(pc) =	sbr.rel .LBB1_4-.Ltmp4, $1  }
0x3b: {  	_ =	sdelay $0x3  }
.LBB1_6:
0x3c: {  	_ =	sfence.sel $0x180000  }
0x3d: {  	s2 =	simm.s32 $0x1;
	[bflag:$0x0] =	sbarrier.arrive $0xFFFF  }
0x3e: {  	s31 =	simm.s32 $0x2;
	[sflag:s2] =	ssyncpa.u1 $0x1  }
0x3f: {  	[sflag:s31] =	ssyncpa.u1 $0x1  }
0x40: {  	p0 =	sne.s32 s0, $0x0;
	_ =	strace $0x9000004A  }
0x41: {  	s0 =	sadd.s32 @!p0 $0x100000, s1;
	[bflag:$0x2] =	sbarrier.arrive $0xFFFF  }
0x42: {  	[sflag:s0] =	ssyncadd.tile.s32 @!p0 $0x1;
	_ =	shalt  }
.Lfunc_end1:
_tile_overlayer_lowered:
.L_overlay_start_2:
0x43: {  	(tag) =	ssettag $0x2  }
0x44: {  	s0 =	rddreg [dreg:$0x0];
	s2 =	stileid.u32  }
0x45: {  	s1 =	rddreg [dreg:$0x1];
	p0 =	sne.s32 s2, $0x0  }
0x46: {  	s3 =	rddreg [dreg:$0x2];
	[bflag:$0x3] =	sbarrier.arrive $0xFFFF;
	s2 =	simm.s32 @!p0 $0x1C01  }
0x47: {  	[timem:s3], [sflag:s2] =	dma.local @!p0 [hbm:s0], s1  }
0x48: {  	s0 =	simm.s32 @!p0 $0x1  }
0x49: {  	_ =	swait.ge @!p0 [sflag:s0], s1  }
0x4a: {  	s1 =	ssub.s32 @!p0 $0x0, s1;
	[sflag:s0] =	ssyncset.done @!p0 $0x0  }
0x4b: {  	[sflag:s0] =	ssyncadd.s32 @!p0 s1  }
0x4c: {  	[bflag:$0x3] =	sbarrier.arrive $0xFFFF  }
0x4d: {  	_ =	shalt  }

</sc_bundles>
